<compile_context>
chip_gen: v7x
topology: tpu7x:2x2x1
jax: 0.10.2.dev20260603
libtpu: 0.0.44.dev20260713+nightly
codegen_flags: <defaults>
</compile_context>

<pallas_src>
import functools

import jax
import jax.numpy as jnp
from jax import lax
from jax.experimental import pallas as pl
from jax.experimental.pallas import tpu as pltpu
from jax.experimental.pallas import tpu_sc as plsc

B = 16
MAXLEN = 512
SEQ = 128
CLS = 101
SEP = 102
PAD = 0
BUDGET = SEQ - 3
H1 = (BUDGET + 1) // 2
WIN = SEQ
NCORES = 1
HALF = SEQ // NCORES
NVREG = HALF // 16

_MESH = plsc.VectorSubcoreMesh(
    core_axis_name="c", subcore_axis_name="s", num_cores=NCORES,
    num_subcores=16
)


def _body(t1_hbm, l1_hbm, t2_hbm, l2_hbm,
          ow_hbm, om_hbm, ot_hbm,
          l1_v, l2_v, t1_v, t2_v, ow_v, om_v, ot_v,
          sem_len, sem_tok, sem_out):
    c = lax.axis_index("c")
    row = lax.axis_index("s")
    base = c * HALF

    tc1 = pltpu.async_copy(t1_hbm.at[row, pl.ds(0, WIN)], t1_v, sem_tok)
    tc2 = pltpu.async_copy(t2_hbm.at[row, pl.ds(0, WIN)], t2_v, sem_tok)
    lc1 = pltpu.async_copy(l1_hbm, l1_v, sem_len)
    lc2 = pltpu.async_copy(l2_hbm, l2_v, sem_len)

    lc1.wait()
    lc2.wait()
    rowv = jnp.full((16,), row, dtype=jnp.int32)
    l1b = plsc.load_gather(l1_v, [rowv])
    l2b = plsc.load_gather(l2_v, [rowv])
    k1 = jnp.minimum(l1b, jnp.maximum(H1, BUDGET - l2b))
    k2 = jnp.minimum(l2b, BUDGET - k1)
    sep1_at = 1 + k1
    sep2_at = 2 + k1 + k2

    lane = lax.iota(jnp.int32, 16)
    for j in range(NVREG):
        pos = lane + (base + j * 16)
        sl = pl.ds(j * 16, 16)
        om_v[sl] = (pos <= sep2_at).astype(jnp.int32)
        ot_v[sl] = ((pos > sep1_at) & (pos <= sep2_at)).astype(jnp.int32)
    oc2 = pltpu.async_copy(om_v, om_hbm.at[row, pl.ds(base, HALF)], sem_out)
    oc3 = pltpu.async_copy(ot_v, ot_hbm.at[row, pl.ds(base, HALF)], sem_out)

    tc1.wait()
    tc2.wait()
    for j in range(NVREG):
        pos = lane + (base + j * 16)
        if j == 0:
            t1 = plsc.load_gather(t1_v, [jnp.maximum(pos - 1, 0)])
        else:
            t1 = t1_v[pl.ds(base + j * 16 - 1, 16)]
        idx2 = jnp.clip(pos - 2 - k1, 0, WIN - 1)
        t2 = plsc.load_gather(t2_v, [idx2])
        in_seg1 = (pos >= 1) & (pos < sep1_at)
        in_seg2 = (pos > sep1_at) & (pos < sep2_at)
        wid = jnp.where(
            pos == 0, CLS,
            jnp.where(in_seg1, t1,
                      jnp.where(pos == sep1_at, SEP,
                                jnp.where(in_seg2, t2,
                                          jnp.where(pos == sep2_at, SEP, PAD)))))
        ow_v[pl.ds(j * 16, 16)] = wid.astype(jnp.int32)
    oc1 = pltpu.async_copy(ow_v, ow_hbm.at[row, pl.ds(base, HALF)], sem_out)

    oc1.wait()
    oc2.wait()
    oc3.wait()


_packer = functools.partial(
    pl.kernel,
    out_type=(
        jax.ShapeDtypeStruct((B, SEQ), jnp.int32),
        jax.ShapeDtypeStruct((B, SEQ), jnp.int32),
        jax.ShapeDtypeStruct((B, SEQ), jnp.int32),
    ),
    mesh=_MESH,
    compiler_params=pltpu.CompilerParams(
        needs_layout_passes=False,
        disable_bounds_checks=True,
        disable_semaphore_checks=True,
    ),
    scratch_types=[
        pltpu.VMEM((16,), jnp.int32),
        pltpu.VMEM((16,), jnp.int32),
        pltpu.VMEM((WIN,), jnp.int32),
        pltpu.VMEM((WIN,), jnp.int32),
        pltpu.VMEM((HALF,), jnp.int32),
        pltpu.VMEM((HALF,), jnp.int32),
        pltpu.VMEM((HALF,), jnp.int32),
        pltpu.SemaphoreType.DMA,
        pltpu.SemaphoreType.DMA,
        pltpu.SemaphoreType.DMA,
    ],
)(_body)


def kernel(tokens1, len1, tokens2, len2):
    return _packer(tokens1, len1.astype(jnp.int32), tokens2,
                   len2.astype(jnp.int32))

# --- scband reference (transcript-rebuilt; emitter-appended) ---
"""Pipeline reference for scband-bert-input-processor-4904852652876 (READ-ONLY COPY).

The authoritative reference and input builder live on the scoring server;
editing this copy changes nothing except your own understanding.
"""

import jax, jax.numpy as jnp
import numpy as np

B = 16
MAXLEN = 512
SEQ = 128          # BertPackInputs seq_length
VOCAB = 30522      # uncased_L-12_H-768_A-12 vocab size
CLS = 101
SEP = 102
PAD = 0


def setup_inputs(seed: int = 0) -> dict:
    key = jax.random.key(seed)
    k1, k2, k3, k4 = jax.random.split(key, 4)
    tokens1 = jax.random.randint(k1, (B, MAXLEN), 0, VOCAB, dtype=jnp.int32)
    len1 = jax.random.randint(k2, (B,), 0, MAXLEN, dtype=jnp.int32)
    tokens2 = jax.random.randint(k3, (B, MAXLEN), 0, VOCAB, dtype=jnp.int32)
    len2 = jax.random.randint(k4, (B,), 0, MAXLEN, dtype=jnp.int32)
    return {"tokens1": tokens1, "len1": len1, "tokens2": tokens2, "len2": len2}


def reference(tokens1, len1, tokens2, len2):
    # Faithful JAX translation of BertPackInputs([tok1, tok2]) with seq_length=SEQ.
    # Per-pair budget for real tokens (room for [CLS] + 2x [SEP]):
    budget = SEQ - 3
    h1 = (budget + 1) // 2  # round-robin trimmer: segment 1 gets the ceil half
    l1 = len1.astype(jnp.int32)
    l2 = len2.astype(jnp.int32)
    # RoundRobinTrimmer outcome: alternate picks between segments until budget.
    keep1 = jnp.minimum(l1, jnp.maximum(h1, budget - l2))
    keep2 = jnp.minimum(l2, budget - keep1)
    k1 = keep1[:, None]
    k2 = keep2[:, None]
    pos = jnp.arange(SEQ, dtype=jnp.int32)[None, :]  # [1, SEQ]
    # Gather candidate tokens for each output slot (SparseCore-style gathers).
    idx1 = jnp.clip(pos - 1, 0, MAXLEN - 1)
    t1 = jnp.take_along_axis(tokens1, jnp.broadcast_to(idx1, (B, SEQ)), axis=1)
    idx2 = jnp.clip(pos - 2 - k1, 0, MAXLEN - 1)
    t2 = jnp.take_along_axis(tokens2, idx2, axis=1)
    is_cls = pos == 0
    in_seg1 = (pos >= 1) & (pos < 1 + k1)
    is_sep1 = pos == 1 + k1
    in_seg2 = (pos >= 2 + k1) & (pos < 2 + k1 + k2)
    is_sep2 = pos == 2 + k1 + k2
    input_word_ids = jnp.where(
        is_cls, CLS,
        jnp.where(in_seg1, t1,
                  jnp.where(is_sep1, SEP,
                            jnp.where(in_seg2, t2,
                                      jnp.where(is_sep2, SEP, PAD))))).astype(jnp.int32)
    input_mask = (pos <= 2 + k1 + k2).astype(jnp.int32)
    input_type_ids = ((pos > 1 + k1) & (pos <= 2 + k1 + k2)).astype(jnp.int32)
    return input_word_ids, input_mask, input_type_ids

if __name__ == "__main__":
    import jax
    _d = setup_inputs()
    print(jax.jit(kernel)(*tuple(_d.values())))

</pallas_src>

<mosaic_0001>
#map = affine_map<(d0, d1) -> (0, 0)>
#map1 = affine_map<(d0, d1) -> (0)>
module attributes {stable_mosaic.version = 14 : i64} {
  func.func @_body(%arg0: i32, %arg1: i32, %arg2: memref<16x512xi32, #tpu.memory_space<hbm>>, %arg3: memref<16xi32, #tpu.memory_space<hbm>>, %arg4: memref<16x512xi32, #tpu.memory_space<hbm>>, %arg5: memref<16xi32, #tpu.memory_space<hbm>>, %arg6: memref<16x128xi32, #tpu.memory_space<hbm>>, %arg7: memref<16x128xi32, #tpu.memory_space<hbm>>, %arg8: memref<16x128xi32, #tpu.memory_space<hbm>>, %arg9: memref<16xi32, #tpu.memory_space<vmem>>, %arg10: memref<16xi32, #tpu.memory_space<vmem>>, %arg11: memref<128xi32, #tpu.memory_space<vmem>>, %arg12: memref<128xi32, #tpu.memory_space<vmem>>, %arg13: memref<128xi32, #tpu.memory_space<vmem>>, %arg14: memref<128xi32, #tpu.memory_space<vmem>>, %arg15: memref<128xi32, #tpu.memory_space<vmem>>, %arg16: memref<!tpu.dma_semaphore, #tpu.memory_space<semaphore_mem>>, %arg17: memref<!tpu.dma_semaphore, #tpu.memory_space<semaphore_mem>>, %arg18: memref<!tpu.dma_semaphore, #tpu.memory_space<semaphore_mem>>) attributes {dimension_semantics = [#tpu.dimension_semantics<core_parallel>, #tpu.dimension_semantics<subcore_parallel>], iteration_bounds = array<i64: 1, 16>, scalar_prefetch = 0 : i64, scratch_operands = 10 : i64, tpu.core_type = #tpu.core_type<sc_vector_subcore>, window_params = [{transform_indices = #map}, {transform_indices = #map1}, {transform_indices = #map}, {transform_indices = #map1}, {transform_indices = #map}, {transform_indices = #map}, {transform_indices = #map}]} {
    %mul3A = arith.constant 128 : i32
    %mul3A_0 = arith.muli %arg0, %mul3A : i32
    %dma_start3A = arith.constant 0 : i32
    %dma_start3A_1 = tpu.memref_slice %arg2[%arg1, %dma_start3A] : memref<16x512xi32, #tpu.memory_space<hbm>> -> memref<1x128xi32, #tpu.memory_space<hbm>>
    %dma_start3A_2 = tpu.memref_squeeze %dma_start3A_1 : memref<1x128xi32, #tpu.memory_space<hbm>> -> memref<128xi32, #tpu.memory_space<hbm>>
    %dma_start3A_3 = arith.constant 0 : i32
    %dma_start3A_4 = tpu.memref_slice %arg2[%arg1, %dma_start3A_3] : memref<16x512xi32, #tpu.memory_space<hbm>> -> memref<1x128xi32, #tpu.memory_space<hbm>>
    %dma_start3A_5 = tpu.memref_squeeze %dma_start3A_4 : memref<1x128xi32, #tpu.memory_space<hbm>> -> memref<128xi32, #tpu.memory_space<hbm>>
    tpu.enqueue_dma source(%dma_start3A_5 : memref<128xi32, #tpu.memory_space<hbm>>) target(%arg11 : memref<128xi32, #tpu.memory_space<vmem>>) target_semaphore(%arg17 : memref<!tpu.dma_semaphore, #tpu.memory_space<semaphore_mem>>)
    %dma_start3A_6 = arith.constant 0 : i32
    %dma_start3A_7 = tpu.memref_slice %arg4[%arg1, %dma_start3A_6] : memref<16x512xi32, #tpu.memory_space<hbm>> -> memref<1x128xi32, #tpu.memory_space<hbm>>
    %dma_start3A_8 = tpu.memref_squeeze %dma_start3A_7 : memref<1x128xi32, #tpu.memory_space<hbm>> -> memref<128xi32, #tpu.memory_space<hbm>>
    %dma_start3A_9 = arith.constant 0 : i32
    %dma_start3A_10 = tpu.memref_slice %arg4[%arg1, %dma_start3A_9] : memref<16x512xi32, #tpu.memory_space<hbm>> -> memref<1x128xi32, #tpu.memory_space<hbm>>
    %dma_start3A_11 = tpu.memref_squeeze %dma_start3A_10 : memref<1x128xi32, #tpu.memory_space<hbm>> -> memref<128xi32, #tpu.memory_space<hbm>>
    tpu.enqueue_dma source(%dma_start3A_11 : memref<128xi32, #tpu.memory_space<hbm>>) target(%arg12 : memref<128xi32, #tpu.memory_space<vmem>>) target_semaphore(%arg17 : memref<!tpu.dma_semaphore, #tpu.memory_space<semaphore_mem>>)
    tpu.enqueue_dma source(%arg3 : memref<16xi32, #tpu.memory_space<hbm>>) target(%arg9 : memref<16xi32, #tpu.memory_space<vmem>>) target_semaphore(%arg16 : memref<!tpu.dma_semaphore, #tpu.memory_space<semaphore_mem>>)
    tpu.enqueue_dma source(%arg5 : memref<16xi32, #tpu.memory_space<hbm>>) target(%arg10 : memref<16xi32, #tpu.memory_space<vmem>>) target_semaphore(%arg16 : memref<!tpu.dma_semaphore, #tpu.memory_space<semaphore_mem>>)
    tpu.wait_dma2 semaphore(%arg16 : memref<!tpu.dma_semaphore, #tpu.memory_space<semaphore_mem>>) src(%arg3 : memref<16xi32, #tpu.memory_space<hbm>>) dst(%arg9 : memref<16xi32, #tpu.memory_space<vmem>>)
    tpu.wait_dma2 semaphore(%arg16 : memref<!tpu.dma_semaphore, #tpu.memory_space<semaphore_mem>>) src(%arg5 : memref<16xi32, #tpu.memory_space<hbm>>) dst(%arg10 : memref<16xi32, #tpu.memory_space<vmem>>)
    %broadcast_in_dim3A = vector.broadcast %arg1 : i32 to vector<16xi32>
    %gather3A = tpu.vector_load_idx %arg9[%broadcast_in_dim3A] : memref<16xi32, #tpu.memory_space<vmem>>[vector<16xi32>], vector<16xi32>,
    %gather3A_12 = tpu.vector_load_idx %arg10[%broadcast_in_dim3A] : memref<16xi32, #tpu.memory_space<vmem>>[vector<16xi32>], vector<16xi32>,
    %sub3A = arith.constant 125 : i32
    %sub3A_13 = vector.broadcast %sub3A : i32 to vector<16xi32>
    %sub3A_14 = arith.subi %sub3A_13, %gather3A_12 : vector<16xi32>
    %max3A = arith.constant 63 : i32
    %max3A_15 = vector.broadcast %max3A : i32 to vector<16xi32>
    %max3A_16 = arith.maxsi %max3A_15, %sub3A_14 : vector<16xi32>
    %min3A = arith.minsi %gather3A, %max3A_16 : vector<16xi32>
    %sub3A_17 = arith.constant 125 : i32
    %sub3A_18 = vector.broadcast %sub3A_17 : i32 to vector<16xi32>
    %sub3A_19 = arith.subi %sub3A_18, %min3A : vector<16xi32>
    %min3A_20 = arith.minsi %gather3A_12, %sub3A_19 : vector<16xi32>
    %add3A = arith.constant 1 : i32
    %add3A_21 = vector.broadcast %add3A : i32 to vector<16xi32>
    %add3A_22 = arith.addi %add3A_21, %min3A : vector<16xi32>
    %add3A_23 = arith.constant 2 : i32
    %add3A_24 = vector.broadcast %add3A_23 : i32 to vector<16xi32>
    %add3A_25 = arith.addi %add3A_24, %min3A : vector<16xi32>
    %add3A_26 = arith.addi %add3A_25, %min3A_20 : vector<16xi32>
    %iota3A = tpu.iota {dimensions = array<i32: 0>} : vector<16xi32>
    %add3A_27 = arith.constant 0 : i32
    %add3A_28 = arith.addi %mul3A_0, %add3A_27 : i32
    %add3A_29 = vector.broadcast %add3A_28 : i32 to vector<16xi32>
    %add3A_30 = arith.addi %iota3A, %add3A_29 : vector<16xi32>
    %le3A = arith.cmpi sle, %add3A_30, %add3A_26 : vector<16xi32>
    %convert_element_type3A = arith.extui %le3A : vector<16xi1> to vector<16xi32>
    %swap3A = arith.constant 0 : index
    %swap3A_31 = tpu.vector_load %arg14[%swap3A] {strides = array<i32>} : memref<128xi32, #tpu.memory_space<vmem>>, vector<16xi32>,
    tpu.vector_store %arg14[%swap3A], %convert_element_type3A {strides = array<i32>} : memref<128xi32, #tpu.memory_space<vmem>>, vector<16xi32>,
    %gt3A = arith.cmpi sgt, %add3A_30, %add3A_22 : vector<16xi32>
    %le3A_32 = arith.cmpi sle, %add3A_30, %add3A_26 : vector<16xi32>
    %and3A = arith.andi %gt3A, %le3A_32 : vector<16xi1>
    %convert_element_type3A_33 = arith.extui %and3A : vector<16xi1> to vector<16xi32>
    %swap3A_34 = arith.constant 0 : index
    %swap3A_35 = tpu.vector_load %arg15[%swap3A_34] {strides = array<i32>} : memref<128xi32, #tpu.memory_space<vmem>>, vector<16xi32>,
    tpu.vector_store %arg15[%swap3A_34], %convert_element_type3A_33 {strides = array<i32>} : memref<128xi32, #tpu.memory_space<vmem>>, vector<16xi32>,
    %add3A_36 = arith.constant 16 : i32
    %add3A_37 = arith.addi %mul3A_0, %add3A_36 : i32
    %add3A_38 = vector.broadcast %add3A_37 : i32 to vector<16xi32>
    %add3A_39 = arith.addi %iota3A, %add3A_38 : vector<16xi32>
    %le3A_40 = arith.cmpi sle, %add3A_39, %add3A_26 : vector<16xi32>
    %convert_element_type3A_41 = arith.extui %le3A_40 : vector<16xi1> to vector<16xi32>
    %swap3A_42 = arith.constant 16 : index
    %swap3A_43 = tpu.vector_load %arg14[%swap3A_42] {strides = array<i32>} : memref<128xi32, #tpu.memory_space<vmem>>, vector<16xi32>,
    tpu.vector_store %arg14[%swap3A_42], %convert_element_type3A_41 {strides = array<i32>} : memref<128xi32, #tpu.memory_space<vmem>>, vector<16xi32>,
    %gt3A_44 = arith.cmpi sgt, %add3A_39, %add3A_22 : vector<16xi32>
    %le3A_45 = arith.cmpi sle, %add3A_39, %add3A_26 : vector<16xi32>
    %and3A_46 = arith.andi %gt3A_44, %le3A_45 : vector<16xi1>
    %convert_element_type3A_47 = arith.extui %and3A_46 : vector<16xi1> to vector<16xi32>
    %swap3A_48 = arith.constant 16 : index
    %swap3A_49 = tpu.vector_load %arg15[%swap3A_48] {strides = array<i32>} : memref<128xi32, #tpu.memory_space<vmem>>, vector<16xi32>,
    tpu.vector_store %arg15[%swap3A_48], %convert_element_type3A_47 {strides = array<i32>} : memref<128xi32, #tpu.memory_space<vmem>>, vector<16xi32>,
    %add3A_50 = arith.constant 32 : i32
    %add3A_51 = arith.addi %mul3A_0, %add3A_50 : i32
    %add3A_52 = vector.broadcast %add3A_51 : i32 to vector<16xi32>
    %add3A_53 = arith.addi %iota3A, %add3A_52 : vector<16xi32>
    %le3A_54 = arith.cmpi sle, %add3A_53, %add3A_26 : vector<16xi32>
    %convert_element_type3A_55 = arith.extui %le3A_54 : vector<16xi1> to vector<16xi32>
    %swap3A_56 = arith.constant 32 : index
    %swap3A_57 = tpu.vector_load %arg14[%swap3A_56] {strides = array<i32>} : memref<128xi32, #tpu.memory_space<vmem>>, vector<16xi32>,
    tpu.vector_store %arg14[%swap3A_56], %convert_element_type3A_55 {strides = array<i32>} : memref<128xi32, #tpu.memory_space<vmem>>, vector<16xi32>,
    %gt3A_58 = arith.cmpi sgt, %add3A_53, %add3A_22 : vector<16xi32>
    %le3A_59 = arith.cmpi sle, %add3A_53, %add3A_26 : vector<16xi32>
    %and3A_60 = arith.andi %gt3A_58, %le3A_59 : vector<16xi1>
    %convert_element_type3A_61 = arith.extui %and3A_60 : vector<16xi1> to vector<16xi32>
    %swap3A_62 = arith.constant 32 : index
    %swap3A_63 = tpu.vector_load %arg15[%swap3A_62] {strides = array<i32>} : memref<128xi32, #tpu.memory_space<vmem>>, vector<16xi32>,
    tpu.vector_store %arg15[%swap3A_62], %convert_element_type3A_61 {strides = array<i32>} : memref<128xi32, #tpu.memory_space<vmem>>, vector<16xi32>,
    %add3A_64 = arith.constant 48 : i32
    %add3A_65 = arith.addi %mul3A_0, %add3A_64 : i32
    %add3A_66 = vector.broadcast %add3A_65 : i32 to vector<16xi32>
    %add3A_67 = arith.addi %iota3A, %add3A_66 : vector<16xi32>
    %le3A_68 = arith.cmpi sle, %add3A_67, %add3A_26 : vector<16xi32>
    %convert_element_type3A_69 = arith.extui %le3A_68 : vector<16xi1> to vector<16xi32>
    %swap3A_70 = arith.constant 48 : index
    %swap3A_71 = tpu.vector_load %arg14[%swap3A_70] {strides = array<i32>} : memref<128xi32, #tpu.memory_space<vmem>>, vector<16xi32>,
    tpu.vector_store %arg14[%swap3A_70], %convert_element_type3A_69 {strides = array<i32>} : memref<128xi32, #tpu.memory_space<vmem>>, vector<16xi32>,
    %gt3A_72 = arith.cmpi sgt, %add3A_67, %add3A_22 : vector<16xi32>
    %le3A_73 = arith.cmpi sle, %add3A_67, %add3A_26 : vector<16xi32>
    %and3A_74 = arith.andi %gt3A_72, %le3A_73 : vector<16xi1>
    %convert_element_type3A_75 = arith.extui %and3A_74 : vector<16xi1> to vector<16xi32>
    %swap3A_76 = arith.constant 48 : index
    %swap3A_77 = tpu.vector_load %arg15[%swap3A_76] {strides = array<i32>} : memref<128xi32, #tpu.memory_space<vmem>>, vector<16xi32>,
    tpu.vector_store %arg15[%swap3A_76], %convert_element_type3A_75 {strides = array<i32>} : memref<128xi32, #tpu.memory_space<vmem>>, vector<16xi32>,
    %add3A_78 = arith.constant 64 : i32
    %add3A_79 = arith.addi %mul3A_0, %add3A_78 : i32
    %add3A_80 = vector.broadcast %add3A_79 : i32 to vector<16xi32>
    %add3A_81 = arith.addi %iota3A, %add3A_80 : vector<16xi32>
    %le3A_82 = arith.cmpi sle, %add3A_81, %add3A_26 : vector<16xi32>
    %convert_element_type3A_83 = arith.extui %le3A_82 : vector<16xi1> to vector<16xi32>
    %swap3A_84 = arith.constant 64 : index
    %swap3A_85 = tpu.vector_load %arg14[%swap3A_84] {strides = array<i32>} : memref<128xi32, #tpu.memory_space<vmem>>, vector<16xi32>,
    tpu.vector_store %arg14[%swap3A_84], %convert_element_type3A_83 {strides = array<i32>} : memref<128xi32, #tpu.memory_space<vmem>>, vector<16xi32>,
    %gt3A_86 = arith.cmpi sgt, %add3A_81, %add3A_22 : vector<16xi32>
    %le3A_87 = arith.cmpi sle, %add3A_81, %add3A_26 : vector<16xi32>
    %and3A_88 = arith.andi %gt3A_86, %le3A_87 : vector<16xi1>
    %convert_element_type3A_89 = arith.extui %and3A_88 : vector<16xi1> to vector<16xi32>
    %swap3A_90 = arith.constant 64 : index
    %swap3A_91 = tpu.vector_load %arg15[%swap3A_90] {strides = array<i32>} : memref<128xi32, #tpu.memory_space<vmem>>, vector<16xi32>,
    tpu.vector_store %arg15[%swap3A_90], %convert_element_type3A_89 {strides = array<i32>} : memref<128xi32, #tpu.memory_space<vmem>>, vector<16xi32>,
    %add3A_92 = arith.constant 80 : i32
    %add3A_93 = arith.addi %mul3A_0, %add3A_92 : i32
    %add3A_94 = vector.broadcast %add3A_93 : i32 to vector<16xi32>
    %add3A_95 = arith.addi %iota3A, %add3A_94 : vector<16xi32>
    %le3A_96 = arith.cmpi sle, %add3A_95, %add3A_26 : vector<16xi32>
    %convert_element_type3A_97 = arith.extui %le3A_96 : vector<16xi1> to vector<16xi32>
    %swap3A_98 = arith.constant 80 : index
    %swap3A_99 = tpu.vector_load %arg14[%swap3A_98] {strides = array<i32>} : memref<128xi32, #tpu.memory_space<vmem>>, vector<16xi32>,
    tpu.vector_store %arg14[%swap3A_98], %convert_element_type3A_97 {strides = array<i32>} : memref<128xi32, #tpu.memory_space<vmem>>, vector<16xi32>,
    %gt3A_100 = arith.cmpi sgt, %add3A_95, %add3A_22 : vector<16xi32>
    %le3A_101 = arith.cmpi sle, %add3A_95, %add3A_26 : vector<16xi32>
    %and3A_102 = arith.andi %gt3A_100, %le3A_101 : vector<16xi1>
    %convert_element_type3A_103 = arith.extui %and3A_102 : vector<16xi1> to vector<16xi32>
    %swap3A_104 = arith.constant 80 : index
    %swap3A_105 = tpu.vector_load %arg15[%swap3A_104] {strides = array<i32>} : memref<128xi32, #tpu.memory_space<vmem>>, vector<16xi32>,
    tpu.vector_store %arg15[%swap3A_104], %convert_element_type3A_103 {strides = array<i32>} : memref<128xi32, #tpu.memory_space<vmem>>, vector<16xi32>,
    %add3A_106 = arith.constant 96 : i32
    %add3A_107 = arith.addi %mul3A_0, %add3A_106 : i32
    %add3A_108 = vector.broadcast %add3A_107 : i32 to vector<16xi32>
    %add3A_109 = arith.addi %iota3A, %add3A_108 : vector<16xi32>
    %le3A_110 = arith.cmpi sle, %add3A_109, %add3A_26 : vector<16xi32>
    %convert_element_type3A_111 = arith.extui %le3A_110 : vector<16xi1> to vector<16xi32>
    %swap3A_112 = arith.constant 96 : index
    %swap3A_113 = tpu.vector_load %arg14[%swap3A_112] {strides = array<i32>} : memref<128xi32, #tpu.memory_space<vmem>>, vector<16xi32>,
    tpu.vector_store %arg14[%swap3A_112], %convert_element_type3A_111 {strides = array<i32>} : memref<128xi32, #tpu.memory_space<vmem>>, vector<16xi32>,
    %gt3A_114 = arith.cmpi sgt, %add3A_109, %add3A_22 : vector<16xi32>
    %le3A_115 = arith.cmpi sle, %add3A_109, %add3A_26 : vector<16xi32>
    %and3A_116 = arith.andi %gt3A_114, %le3A_115 : vector<16xi1>
    %convert_element_type3A_117 = arith.extui %and3A_116 : vector<16xi1> to vector<16xi32>
    %swap3A_118 = arith.constant 96 : index
    %swap3A_119 = tpu.vector_load %arg15[%swap3A_118] {strides = array<i32>} : memref<128xi32, #tpu.memory_space<vmem>>, vector<16xi32>,
    tpu.vector_store %arg15[%swap3A_118], %convert_element_type3A_117 {strides = array<i32>} : memref<128xi32, #tpu.memory_space<vmem>>, vector<16xi32>,
    %add3A_120 = arith.constant 112 : i32
    %add3A_121 = arith.addi %mul3A_0, %add3A_120 : i32
    %add3A_122 = vector.broadcast %add3A_121 : i32 to vector<16xi32>
    %add3A_123 = arith.addi %iota3A, %add3A_122 : vector<16xi32>
    %le3A_124 = arith.cmpi sle, %add3A_123, %add3A_26 : vector<16xi32>
    %convert_element_type3A_125 = arith.extui %le3A_124 : vector<16xi1> to vector<16xi32>
    %swap3A_126 = arith.constant 112 : index
    %swap3A_127 = tpu.vector_load %arg14[%swap3A_126] {strides = array<i32>} : memref<128xi32, #tpu.memory_space<vmem>>, vector<16xi32>,
    tpu.vector_store %arg14[%swap3A_126], %convert_element_type3A_125 {strides = array<i32>} : memref<128xi32, #tpu.memory_space<vmem>>, vector<16xi32>,
    %gt3A_128 = arith.cmpi sgt, %add3A_123, %add3A_22 : vector<16xi32>
    %le3A_129 = arith.cmpi sle, %add3A_123, %add3A_26 : vector<16xi32>
    %and3A_130 = arith.andi %gt3A_128, %le3A_129 : vector<16xi1>
    %convert_element_type3A_131 = arith.extui %and3A_130 : vector<16xi1> to vector<16xi32>
    %swap3A_132 = arith.constant 112 : index
    %swap3A_133 = tpu.vector_load %arg15[%swap3A_132] {strides = array<i32>} : memref<128xi32, #tpu.memory_space<vmem>>, vector<16xi32>,
    tpu.vector_store %arg15[%swap3A_132], %convert_element_type3A_131 {strides = array<i32>} : memref<128xi32, #tpu.memory_space<vmem>>, vector<16xi32>,
    %dma_start3A_134 = tpu.memref_slice %arg7[%arg1, %mul3A_0] : memref<16x128xi32, #tpu.memory_space<hbm>> -> memref<1x128xi32, #tpu.memory_space<hbm>>
    %dma_start3A_135 = tpu.memref_squeeze %dma_start3A_134 : memref<1x128xi32, #tpu.memory_space<hbm>> -> memref<128xi32, #tpu.memory_space<hbm>>
    %dma_start3A_136 = tpu.memref_slice %arg7[%arg1, %mul3A_0] : memref<16x128xi32, #tpu.memory_space<hbm>> -> memref<1x128xi32, #tpu.memory_space<hbm>>
    %dma_start3A_137 = tpu.memref_squeeze %dma_start3A_136 : memref<1x128xi32, #tpu.memory_space<hbm>> -> memref<128xi32, #tpu.memory_space<hbm>>
    tpu.enqueue_dma source(%arg14 : memref<128xi32, #tpu.memory_space<vmem>>) target(%dma_start3A_137 : memref<128xi32, #tpu.memory_space<hbm>>) target_semaphore(%arg18 : memref<!tpu.dma_semaphore, #tpu.memory_space<semaphore_mem>>)
    %dma_start3A_138 = tpu.memref_slice %arg8[%arg1, %mul3A_0] : memref<16x128xi32, #tpu.memory_space<hbm>> -> memref<1x128xi32, #tpu.memory_space<hbm>>
    %dma_start3A_139 = tpu.memref_squeeze %dma_start3A_138 : memref<1x128xi32, #tpu.memory_space<hbm>> -> memref<128xi32, #tpu.memory_space<hbm>>
    %dma_start3A_140 = tpu.memref_slice %arg8[%arg1, %mul3A_0] : memref<16x128xi32, #tpu.memory_space<hbm>> -> memref<1x128xi32, #tpu.memory_space<hbm>>
    %dma_start3A_141 = tpu.memref_squeeze %dma_start3A_140 : memref<1x128xi32, #tpu.memory_space<hbm>> -> memref<128xi32, #tpu.memory_space<hbm>>
    tpu.enqueue_dma source(%arg15 : memref<128xi32, #tpu.memory_space<vmem>>) target(%dma_start3A_141 : memref<128xi32, #tpu.memory_space<hbm>>) target_semaphore(%arg18 : memref<!tpu.dma_semaphore, #tpu.memory_space<semaphore_mem>>)
    %dma_wait3A = arith.constant 0 : i32
    %dma_wait3A_142 = tpu.memref_slice %arg2[%arg1, %dma_wait3A] : memref<16x512xi32, #tpu.memory_space<hbm>> -> memref<1x128xi32, #tpu.memory_space<hbm>>
    %dma_wait3A_143 = tpu.memref_squeeze %dma_wait3A_142 : memref<1x128xi32, #tpu.memory_space<hbm>> -> memref<128xi32, #tpu.memory_space<hbm>>
    %dma_wait3A_144 = arith.constant 0 : i32
    %dma_wait3A_145 = tpu.memref_slice %arg2[%arg1, %dma_wait3A_144] : memref<16x512xi32, #tpu.memory_space<hbm>> -> memref<1x128xi32, #tpu.memory_space<hbm>>
    %dma_wait3A_146 = tpu.memref_squeeze %dma_wait3A_145 : memref<1x128xi32, #tpu.memory_space<hbm>> -> memref<128xi32, #tpu.memory_space<hbm>>
    tpu.wait_dma2 semaphore(%arg17 : memref<!tpu.dma_semaphore, #tpu.memory_space<semaphore_mem>>) src(%dma_wait3A_146 : memref<128xi32, #tpu.memory_space<hbm>>) dst(%arg11 : memref<128xi32, #tpu.memory_space<vmem>>)
    %dma_wait3A_147 = arith.constant 0 : i32
    %dma_wait3A_148 = tpu.memref_slice %arg4[%arg1, %dma_wait3A_147] : memref<16x512xi32, #tpu.memory_space<hbm>> -> memref<1x128xi32, #tpu.memory_space<hbm>>
    %dma_wait3A_149 = tpu.memref_squeeze %dma_wait3A_148 : memref<1x128xi32, #tpu.memory_space<hbm>> -> memref<128xi32, #tpu.memory_space<hbm>>
    %dma_wait3A_150 = arith.constant 0 : i32
    %dma_wait3A_151 = tpu.memref_slice %arg4[%arg1, %dma_wait3A_150] : memref<16x512xi32, #tpu.memory_space<hbm>> -> memref<1x128xi32, #tpu.memory_space<hbm>>
    %dma_wait3A_152 = tpu.memref_squeeze %dma_wait3A_151 : memref<1x128xi32, #tpu.memory_space<hbm>> -> memref<128xi32, #tpu.memory_space<hbm>>
    tpu.wait_dma2 semaphore(%arg17 : memref<!tpu.dma_semaphore, #tpu.memory_space<semaphore_mem>>) src(%dma_wait3A_152 : memref<128xi32, #tpu.memory_space<hbm>>) dst(%arg12 : memref<128xi32, #tpu.memory_space<vmem>>)
    %add3A_153 = arith.constant 0 : i32
    %add3A_154 = arith.addi %mul3A_0, %add3A_153 : i32
    %add3A_155 = vector.broadcast %add3A_154 : i32 to vector<16xi32>
    %add3A_156 = arith.addi %iota3A, %add3A_155 : vector<16xi32>
    %sub3A_157 = arith.constant 1 : i32
    %sub3A_158 = vector.broadcast %sub3A_157 : i32 to vector<16xi32>
    %sub3A_159 = arith.subi %add3A_156, %sub3A_158 : vector<16xi32>
    %max3A_160 = arith.constant 0 : i32
    %max3A_161 = vector.broadcast %max3A_160 : i32 to vector<16xi32>
    %max3A_162 = arith.maxsi %sub3A_159, %max3A_161 : vector<16xi32>
    %gather3A_163 = tpu.vector_load_idx %arg11[%max3A_162] : memref<128xi32, #tpu.memory_space<vmem>>[vector<16xi32>], vector<16xi32>,
    %sub3A_164 = arith.constant 2 : i32
    %sub3A_165 = vector.broadcast %sub3A_164 : i32 to vector<16xi32>
    %sub3A_166 = arith.subi %add3A_156, %sub3A_165 : vector<16xi32>
    %sub3A_167 = arith.subi %sub3A_166, %min3A : vector<16xi32>
    %jit3A = arith.constant 0 : i32
    %jit3A_168 = arith.constant 127 : i32
    %max3A_169 = vector.broadcast %jit3A : i32 to vector<16xi32>
    %max3A_170 = arith.maxsi %max3A_169, %sub3A_167 : vector<16xi32>
    %min3A_171 = vector.broadcast %jit3A_168 : i32 to vector<16xi32>
    %min3A_172 = arith.minsi %min3A_171, %max3A_170 : vector<16xi32>
    %gather3A_173 = tpu.vector_load_idx %arg12[%min3A_172] : memref<128xi32, #tpu.memory_space<vmem>>[vector<16xi32>], vector<16xi32>,
    %ge3A = arith.constant 1 : i32
    %ge3A_174 = vector.broadcast %ge3A : i32 to vector<16xi32>
    %ge3A_175 = arith.cmpi sge, %add3A_156, %ge3A_174 : vector<16xi32>
    %lt3A = arith.cmpi slt, %add3A_156, %add3A_22 : vector<16xi32>
    %and3A_176 = arith.andi %ge3A_175, %lt3A : vector<16xi1>
    %gt3A_177 = arith.cmpi sgt, %add3A_156, %add3A_22 : vector<16xi32>
    %lt3A_178 = arith.cmpi slt, %add3A_156, %add3A_26 : vector<16xi32>
    %and3A_179 = arith.andi %gt3A_177, %lt3A_178 : vector<16xi1>
    %eq3A = arith.constant 0 : i32
    %eq3A_180 = vector.broadcast %eq3A : i32 to vector<16xi32>
    %eq3A_181 = arith.cmpi eq, %add3A_156, %eq3A_180 : vector<16xi32>
    %eq3A_182 = arith.cmpi eq, %add3A_156, %add3A_22 : vector<16xi32>
    %eq3A_183 = arith.cmpi eq, %add3A_156, %add3A_26 : vector<16xi32>
    %jit3A_184 = arith.constant 102 : i32
    %jit3A_185 = arith.constant 0 : i32
    %broadcast_in_dim3A_186 = vector.broadcast %jit3A_184 : i32 to vector<16xi32>
    %broadcast_in_dim3A_187 = vector.broadcast %jit3A_185 : i32 to vector<16xi32>
    %select_n3A = arith.select %eq3A_183, %broadcast_in_dim3A_186, %broadcast_in_dim3A_187 : vector<16xi1>, vector<16xi32>
    %select_n3A_188 = arith.select %and3A_179, %gather3A_173, %select_n3A : vector<16xi1>, vector<16xi32>
    %jit3A_189 = arith.constant 102 : i32
    %broadcast_in_dim3A_190 = vector.broadcast %jit3A_189 : i32 to vector<16xi32>
    %select_n3A_191 = arith.select %eq3A_182, %broadcast_in_dim3A_190, %select_n3A_188 : vector<16xi1>, vector<16xi32>
    %select_n3A_192 = arith.select %and3A_176, %gather3A_163, %select_n3A_191 : vector<16xi1>, vector<16xi32>
    %jit3A_193 = arith.constant 101 : i32
    %broadcast_in_dim3A_194 = vector.broadcast %jit3A_193 : i32 to vector<16xi32>
    %select_n3A_195 = arith.select %eq3A_181, %broadcast_in_dim3A_194, %select_n3A_192 : vector<16xi1>, vector<16xi32>
    %swap3A_196 = arith.constant 0 : index
    %swap3A_197 = tpu.vector_load %arg13[%swap3A_196] {strides = array<i32>} : memref<128xi32, #tpu.memory_space<vmem>>, vector<16xi32>,
    tpu.vector_store %arg13[%swap3A_196], %select_n3A_195 {strides = array<i32>} : memref<128xi32, #tpu.memory_space<vmem>>, vector<16xi32>,
    %add3A_198 = arith.constant 16 : i32
    %add3A_199 = arith.addi %mul3A_0, %add3A_198 : i32
    %add3A_200 = vector.broadcast %add3A_199 : i32 to vector<16xi32>
    %add3A_201 = arith.addi %iota3A, %add3A_200 : vector<16xi32>
    %add3A_202 = arith.constant 16 : i32
    %add3A_203 = arith.addi %mul3A_0, %add3A_202 : i32
    %sub3A_204 = arith.constant 1 : i32
    %sub3A_205 = arith.subi %add3A_203, %sub3A_204 : i32
    %get3A = arith.index_cast %sub3A_205 : i32 to index
    %get3A_206 = tpu.vector_load %arg11[%get3A] {strides = array<i32>} : memref<128xi32, #tpu.memory_space<vmem>>, vector<16xi32>,
    %sub3A_207 = arith.constant 2 : i32
    %sub3A_208 = vector.broadcast %sub3A_207 : i32 to vector<16xi32>
    %sub3A_209 = arith.subi %add3A_201, %sub3A_208 : vector<16xi32>
    %sub3A_210 = arith.subi %sub3A_209, %min3A : vector<16xi32>
    %jit3A_211 = arith.constant 0 : i32
    %jit3A_212 = arith.constant 127 : i32
    %max3A_213 = vector.broadcast %jit3A_211 : i32 to vector<16xi32>
    %max3A_214 = arith.maxsi %max3A_213, %sub3A_210 : vector<16xi32>
    %min3A_215 = vector.broadcast %jit3A_212 : i32 to vector<16xi32>
    %min3A_216 = arith.minsi %min3A_215, %max3A_214 : vector<16xi32>
    %gather3A_217 = tpu.vector_load_idx %arg12[%min3A_216] : memref<128xi32, #tpu.memory_space<vmem>>[vector<16xi32>], vector<16xi32>,
    %ge3A_218 = arith.constant 1 : i32
    %ge3A_219 = vector.broadcast %ge3A_218 : i32 to vector<16xi32>
    %ge3A_220 = arith.cmpi sge, %add3A_201, %ge3A_219 : vector<16xi32>
    %lt3A_221 = arith.cmpi slt, %add3A_201, %add3A_22 : vector<16xi32>
    %and3A_222 = arith.andi %ge3A_220, %lt3A_221 : vector<16xi1>
    %gt3A_223 = arith.cmpi sgt, %add3A_201, %add3A_22 : vector<16xi32>
    %lt3A_224 = arith.cmpi slt, %add3A_201, %add3A_26 : vector<16xi32>
    %and3A_225 = arith.andi %gt3A_223, %lt3A_224 : vector<16xi1>
    %eq3A_226 = arith.constant 0 : i32
    %eq3A_227 = vector.broadcast %eq3A_226 : i32 to vector<16xi32>
    %eq3A_228 = arith.cmpi eq, %add3A_201, %eq3A_227 : vector<16xi32>
    %eq3A_229 = arith.cmpi eq, %add3A_201, %add3A_22 : vector<16xi32>
    %eq3A_230 = arith.cmpi eq, %add3A_201, %add3A_26 : vector<16xi32>
    %jit3A_231 = arith.constant 102 : i32
    %jit3A_232 = arith.constant 0 : i32
    %broadcast_in_dim3A_233 = vector.broadcast %jit3A_231 : i32 to vector<16xi32>
    %broadcast_in_dim3A_234 = vector.broadcast %jit3A_232 : i32 to vector<16xi32>
    %select_n3A_235 = arith.select %eq3A_230, %broadcast_in_dim3A_233, %broadcast_in_dim3A_234 : vector<16xi1>, vector<16xi32>
    %select_n3A_236 = arith.select %and3A_225, %gather3A_217, %select_n3A_235 : vector<16xi1>, vector<16xi32>
    %jit3A_237 = arith.constant 102 : i32
    %broadcast_in_dim3A_238 = vector.broadcast %jit3A_237 : i32 to vector<16xi32>
    %select_n3A_239 = arith.select %eq3A_229, %broadcast_in_dim3A_238, %select_n3A_236 : vector<16xi1>, vector<16xi32>
    %select_n3A_240 = arith.select %and3A_222, %get3A_206, %select_n3A_239 : vector<16xi1>, vector<16xi32>
    %jit3A_241 = arith.constant 101 : i32
    %broadcast_in_dim3A_242 = vector.broadcast %jit3A_241 : i32 to vector<16xi32>
    %select_n3A_243 = arith.select %eq3A_228, %broadcast_in_dim3A_242, %select_n3A_240 : vector<16xi1>, vector<16xi32>
    %swap3A_244 = arith.constant 16 : index
    %swap3A_245 = tpu.vector_load %arg13[%swap3A_244] {strides = array<i32>} : memref<128xi32, #tpu.memory_space<vmem>>, vector<16xi32>,
    tpu.vector_store %arg13[%swap3A_244], %select_n3A_243 {strides = array<i32>} : memref<128xi32, #tpu.memory_space<vmem>>, vector<16xi32>,
    %add3A_246 = arith.constant 32 : i32
    %add3A_247 = arith.addi %mul3A_0, %add3A_246 : i32
    %add3A_248 = vector.broadcast %add3A_247 : i32 to vector<16xi32>
    %add3A_249 = arith.addi %iota3A, %add3A_248 : vector<16xi32>
    %add3A_250 = arith.constant 32 : i32
    %add3A_251 = arith.addi %mul3A_0, %add3A_250 : i32
    %sub3A_252 = arith.constant 1 : i32
    %sub3A_253 = arith.subi %add3A_251, %sub3A_252 : i32
    %get3A_254 = arith.index_cast %sub3A_253 : i32 to index
    %get3A_255 = tpu.vector_load %arg11[%get3A_254] {strides = array<i32>} : memref<128xi32, #tpu.memory_space<vmem>>, vector<16xi32>,
    %sub3A_256 = arith.constant 2 : i32
    %sub3A_257 = vector.broadcast %sub3A_256 : i32 to vector<16xi32>
    %sub3A_258 = arith.subi %add3A_249, %sub3A_257 : vector<16xi32>
    %sub3A_259 = arith.subi %sub3A_258, %min3A : vector<16xi32>
    %jit3A_260 = arith.constant 0 : i32
    %jit3A_261 = arith.constant 127 : i32
    %max3A_262 = vector.broadcast %jit3A_260 : i32 to vector<16xi32>
    %max3A_263 = arith.maxsi %max3A_262, %sub3A_259 : vector<16xi32>
    %min3A_264 = vector.broadcast %jit3A_261 : i32 to vector<16xi32>
    %min3A_265 = arith.minsi %min3A_264, %max3A_263 : vector<16xi32>
    %gather3A_266 = tpu.vector_load_idx %arg12[%min3A_265] : memref<128xi32, #tpu.memory_space<vmem>>[vector<16xi32>], vector<16xi32>,
    %ge3A_267 = arith.constant 1 : i32
    %ge3A_268 = vector.broadcast %ge3A_267 : i32 to vector<16xi32>
    %ge3A_269 = arith.cmpi sge, %add3A_249, %ge3A_268 : vector<16xi32>
    %lt3A_270 = arith.cmpi slt, %add3A_249, %add3A_22 : vector<16xi32>
    %and3A_271 = arith.andi %ge3A_269, %lt3A_270 : vector<16xi1>
    %gt3A_272 = arith.cmpi sgt, %add3A_249, %add3A_22 : vector<16xi32>
    %lt3A_273 = arith.cmpi slt, %add3A_249, %add3A_26 : vector<16xi32>
    %and3A_274 = arith.andi %gt3A_272, %lt3A_273 : vector<16xi1>
    %eq3A_275 = arith.constant 0 : i32
    %eq3A_276 = vector.broadcast %eq3A_275 : i32 to vector<16xi32>
    %eq3A_277 = arith.cmpi eq, %add3A_249, %eq3A_276 : vector<16xi32>
    %eq3A_278 = arith.cmpi eq, %add3A_249, %add3A_22 : vector<16xi32>
    %eq3A_279 = arith.cmpi eq, %add3A_249, %add3A_26 : vector<16xi32>
    %jit3A_280 = arith.constant 102 : i32
    %jit3A_281 = arith.constant 0 : i32
    %broadcast_in_dim3A_282 = vector.broadcast %jit3A_280 : i32 to vector<16xi32>
    %broadcast_in_dim3A_283 = vector.broadcast %jit3A_281 : i32 to vector<16xi32>
    %select_n3A_284 = arith.select %eq3A_279, %broadcast_in_dim3A_282, %broadcast_in_dim3A_283 : vector<16xi1>, vector<16xi32>
    %select_n3A_285 = arith.select %and3A_274, %gather3A_266, %select_n3A_284 : vector<16xi1>, vector<16xi32>
    %jit3A_286 = arith.constant 102 : i32
    %broadcast_in_dim3A_287 = vector.broadcast %jit3A_286 : i32 to vector<16xi32>
    %select_n3A_288 = arith.select %eq3A_278, %broadcast_in_dim3A_287, %select_n3A_285 : vector<16xi1>, vector<16xi32>
    %select_n3A_289 = arith.select %and3A_271, %get3A_255, %select_n3A_288 : vector<16xi1>, vector<16xi32>
    %jit3A_290 = arith.constant 101 : i32
    %broadcast_in_dim3A_291 = vector.broadcast %jit3A_290 : i32 to vector<16xi32>
    %select_n3A_292 = arith.select %eq3A_277, %broadcast_in_dim3A_291, %select_n3A_289 : vector<16xi1>, vector<16xi32>
    %swap3A_293 = arith.constant 32 : index
    %swap3A_294 = tpu.vector_load %arg13[%swap3A_293] {strides = array<i32>} : memref<128xi32, #tpu.memory_space<vmem>>, vector<16xi32>,
    tpu.vector_store %arg13[%swap3A_293], %select_n3A_292 {strides = array<i32>} : memref<128xi32, #tpu.memory_space<vmem>>, vector<16xi32>,
    %add3A_295 = arith.constant 48 : i32
    %add3A_296 = arith.addi %mul3A_0, %add3A_295 : i32
    %add3A_297 = vector.broadcast %add3A_296 : i32 to vector<16xi32>
    %add3A_298 = arith.addi %iota3A, %add3A_297 : vector<16xi32>
    %add3A_299 = arith.constant 48 : i32
    %add3A_300 = arith.addi %mul3A_0, %add3A_299 : i32
    %sub3A_301 = arith.constant 1 : i32
    %sub3A_302 = arith.subi %add3A_300, %sub3A_301 : i32
    %get3A_303 = arith.index_cast %sub3A_302 : i32 to index
    %get3A_304 = tpu.vector_load %arg11[%get3A_303] {strides = array<i32>} : memref<128xi32, #tpu.memory_space<vmem>>, vector<16xi32>,
    %sub3A_305 = arith.constant 2 : i32
    %sub3A_306 = vector.broadcast %sub3A_305 : i32 to vector<16xi32>
    %sub3A_307 = arith.subi %add3A_298, %sub3A_306 : vector<16xi32>
    %sub3A_308 = arith.subi %sub3A_307, %min3A : vector<16xi32>
    %jit3A_309 = arith.constant 0 : i32
    %jit3A_310 = arith.constant 127 : i32
    %max3A_311 = vector.broadcast %jit3A_309 : i32 to vector<16xi32>
    %max3A_312 = arith.maxsi %max3A_311, %sub3A_308 : vector<16xi32>
    %min3A_313 = vector.broadcast %jit3A_310 : i32 to vector<16xi32>
    %min3A_314 = arith.minsi %min3A_313, %max3A_312 : vector<16xi32>
    %gather3A_315 = tpu.vector_load_idx %arg12[%min3A_314] : memref<128xi32, #tpu.memory_space<vmem>>[vector<16xi32>], vector<16xi32>,
    %ge3A_316 = arith.constant 1 : i32
    %ge3A_317 = vector.broadcast %ge3A_316 : i32 to vector<16xi32>
    %ge3A_318 = arith.cmpi sge, %add3A_298, %ge3A_317 : vector<16xi32>
    %lt3A_319 = arith.cmpi slt, %add3A_298, %add3A_22 : vector<16xi32>
    %and3A_320 = arith.andi %ge3A_318, %lt3A_319 : vector<16xi1>
    %gt3A_321 = arith.cmpi sgt, %add3A_298, %add3A_22 : vector<16xi32>
    %lt3A_322 = arith.cmpi slt, %add3A_298, %add3A_26 : vector<16xi32>
    %and3A_323 = arith.andi %gt3A_321, %lt3A_322 : vector<16xi1>
    %eq3A_324 = arith.constant 0 : i32
    %eq3A_325 = vector.broadcast %eq3A_324 : i32 to vector<16xi32>
    %eq3A_326 = arith.cmpi eq, %add3A_298, %eq3A_325 : vector<16xi32>
    %eq3A_327 = arith.cmpi eq, %add3A_298, %add3A_22 : vector<16xi32>
    %eq3A_328 = arith.cmpi eq, %add3A_298, %add3A_26 : vector<16xi32>
    %jit3A_329 = arith.constant 102 : i32
    %jit3A_330 = arith.constant 0 : i32
    %broadcast_in_dim3A_331 = vector.broadcast %jit3A_329 : i32 to vector<16xi32>
    %broadcast_in_dim3A_332 = vector.broadcast %jit3A_330 : i32 to vector<16xi32>
    %select_n3A_333 = arith.select %eq3A_328, %broadcast_in_dim3A_331, %broadcast_in_dim3A_332 : vector<16xi1>, vector<16xi32>
    %select_n3A_334 = arith.select %and3A_323, %gather3A_315, %select_n3A_333 : vector<16xi1>, vector<16xi32>
    %jit3A_335 = arith.constant 102 : i32
    %broadcast_in_dim3A_336 = vector.broadcast %jit3A_335 : i32 to vector<16xi32>
    %select_n3A_337 = arith.select %eq3A_327, %broadcast_in_dim3A_336, %select_n3A_334 : vector<16xi1>, vector<16xi32>
    %select_n3A_338 = arith.select %and3A_320, %get3A_304, %select_n3A_337 : vector<16xi1>, vector<16xi32>
    %jit3A_339 = arith.constant 101 : i32
    %broadcast_in_dim3A_340 = vector.broadcast %jit3A_339 : i32 to vector<16xi32>
    %select_n3A_341 = arith.select %eq3A_326, %broadcast_in_dim3A_340, %select_n3A_338 : vector<16xi1>, vector<16xi32>
    %swap3A_342 = arith.constant 48 : index
    %swap3A_343 = tpu.vector_load %arg13[%swap3A_342] {strides = array<i32>} : memref<128xi32, #tpu.memory_space<vmem>>, vector<16xi32>,
    tpu.vector_store %arg13[%swap3A_342], %select_n3A_341 {strides = array<i32>} : memref<128xi32, #tpu.memory_space<vmem>>, vector<16xi32>,
    %add3A_344 = arith.constant 64 : i32
    %add3A_345 = arith.addi %mul3A_0, %add3A_344 : i32
    %add3A_346 = vector.broadcast %add3A_345 : i32 to vector<16xi32>
    %add3A_347 = arith.addi %iota3A, %add3A_346 : vector<16xi32>
    %add3A_348 = arith.constant 64 : i32
    %add3A_349 = arith.addi %mul3A_0, %add3A_348 : i32
    %sub3A_350 = arith.constant 1 : i32
    %sub3A_351 = arith.subi %add3A_349, %sub3A_350 : i32
    %get3A_352 = arith.index_cast %sub3A_351 : i32 to index
    %get3A_353 = tpu.vector_load %arg11[%get3A_352] {strides = array<i32>} : memref<128xi32, #tpu.memory_space<vmem>>, vector<16xi32>,
    %sub3A_354 = arith.constant 2 : i32
    %sub3A_355 = vector.broadcast %sub3A_354 : i32 to vector<16xi32>
    %sub3A_356 = arith.subi %add3A_347, %sub3A_355 : vector<16xi32>
    %sub3A_357 = arith.subi %sub3A_356, %min3A : vector<16xi32>
    %jit3A_358 = arith.constant 0 : i32
    %jit3A_359 = arith.constant 127 : i32
    %max3A_360 = vector.broadcast %jit3A_358 : i32 to vector<16xi32>
    %max3A_361 = arith.maxsi %max3A_360, %sub3A_357 : vector<16xi32>
    %min3A_362 = vector.broadcast %jit3A_359 : i32 to vector<16xi32>
    %min3A_363 = arith.minsi %min3A_362, %max3A_361 : vector<16xi32>
    %gather3A_364 = tpu.vector_load_idx %arg12[%min3A_363] : memref<128xi32, #tpu.memory_space<vmem>>[vector<16xi32>], vector<16xi32>,
    %ge3A_365 = arith.constant 1 : i32
    %ge3A_366 = vector.broadcast %ge3A_365 : i32 to vector<16xi32>
    %ge3A_367 = arith.cmpi sge, %add3A_347, %ge3A_366 : vector<16xi32>
    %lt3A_368 = arith.cmpi slt, %add3A_347, %add3A_22 : vector<16xi32>
    %and3A_369 = arith.andi %ge3A_367, %lt3A_368 : vector<16xi1>
    %gt3A_370 = arith.cmpi sgt, %add3A_347, %add3A_22 : vector<16xi32>
    %lt3A_371 = arith.cmpi slt, %add3A_347, %add3A_26 : vector<16xi32>
    %and3A_372 = arith.andi %gt3A_370, %lt3A_371 : vector<16xi1>
    %eq3A_373 = arith.constant 0 : i32
    %eq3A_374 = vector.broadcast %eq3A_373 : i32 to vector<16xi32>
    %eq3A_375 = arith.cmpi eq, %add3A_347, %eq3A_374 : vector<16xi32>
    %eq3A_376 = arith.cmpi eq, %add3A_347, %add3A_22 : vector<16xi32>
    %eq3A_377 = arith.cmpi eq, %add3A_347, %add3A_26 : vector<16xi32>
    %jit3A_378 = arith.constant 102 : i32
    %jit3A_379 = arith.constant 0 : i32
    %broadcast_in_dim3A_380 = vector.broadcast %jit3A_378 : i32 to vector<16xi32>
    %broadcast_in_dim3A_381 = vector.broadcast %jit3A_379 : i32 to vector<16xi32>
    %select_n3A_382 = arith.select %eq3A_377, %broadcast_in_dim3A_380, %broadcast_in_dim3A_381 : vector<16xi1>, vector<16xi32>
    %select_n3A_383 = arith.select %and3A_372, %gather3A_364, %select_n3A_382 : vector<16xi1>, vector<16xi32>
    %jit3A_384 = arith.constant 102 : i32
    %broadcast_in_dim3A_385 = vector.broadcast %jit3A_384 : i32 to vector<16xi32>
    %select_n3A_386 = arith.select %eq3A_376, %broadcast_in_dim3A_385, %select_n3A_383 : vector<16xi1>, vector<16xi32>
    %select_n3A_387 = arith.select %and3A_369, %get3A_353, %select_n3A_386 : vector<16xi1>, vector<16xi32>
    %jit3A_388 = arith.constant 101 : i32
    %broadcast_in_dim3A_389 = vector.broadcast %jit3A_388 : i32 to vector<16xi32>
    %select_n3A_390 = arith.select %eq3A_375, %broadcast_in_dim3A_389, %select_n3A_387 : vector<16xi1>, vector<16xi32>
    %swap3A_391 = arith.constant 64 : index
    %swap3A_392 = tpu.vector_load %arg13[%swap3A_391] {strides = array<i32>} : memref<128xi32, #tpu.memory_space<vmem>>, vector<16xi32>,
    tpu.vector_store %arg13[%swap3A_391], %select_n3A_390 {strides = array<i32>} : memref<128xi32, #tpu.memory_space<vmem>>, vector<16xi32>,
    %add3A_393 = arith.constant 80 : i32
    %add3A_394 = arith.addi %mul3A_0, %add3A_393 : i32
    %add3A_395 = vector.broadcast %add3A_394 : i32 to vector<16xi32>
    %add3A_396 = arith.addi %iota3A, %add3A_395 : vector<16xi32>
    %add3A_397 = arith.constant 80 : i32
    %add3A_398 = arith.addi %mul3A_0, %add3A_397 : i32
    %sub3A_399 = arith.constant 1 : i32
    %sub3A_400 = arith.subi %add3A_398, %sub3A_399 : i32
    %get3A_401 = arith.index_cast %sub3A_400 : i32 to index
    %get3A_402 = tpu.vector_load %arg11[%get3A_401] {strides = array<i32>} : memref<128xi32, #tpu.memory_space<vmem>>, vector<16xi32>,
    %sub3A_403 = arith.constant 2 : i32
    %sub3A_404 = vector.broadcast %sub3A_403 : i32 to vector<16xi32>
    %sub3A_405 = arith.subi %add3A_396, %sub3A_404 : vector<16xi32>
    %sub3A_406 = arith.subi %sub3A_405, %min3A : vector<16xi32>
    %jit3A_407 = arith.constant 0 : i32
    %jit3A_408 = arith.constant 127 : i32
    %max3A_409 = vector.broadcast %jit3A_407 : i32 to vector<16xi32>
    %max3A_410 = arith.maxsi %max3A_409, %sub3A_406 : vector<16xi32>
    %min3A_411 = vector.broadcast %jit3A_408 : i32 to vector<16xi32>
    %min3A_412 = arith.minsi %min3A_411, %max3A_410 : vector<16xi32>
    %gather3A_413 = tpu.vector_load_idx %arg12[%min3A_412] : memref<128xi32, #tpu.memory_space<vmem>>[vector<16xi32>], vector<16xi32>,
    %ge3A_414 = arith.constant 1 : i32
    %ge3A_415 = vector.broadcast %ge3A_414 : i32 to vector<16xi32>
    %ge3A_416 = arith.cmpi sge, %add3A_396, %ge3A_415 : vector<16xi32>
    %lt3A_417 = arith.cmpi slt, %add3A_396, %add3A_22 : vector<16xi32>
    %and3A_418 = arith.andi %ge3A_416, %lt3A_417 : vector<16xi1>
    %gt3A_419 = arith.cmpi sgt, %add3A_396, %add3A_22 : vector<16xi32>
    %lt3A_420 = arith.cmpi slt, %add3A_396, %add3A_26 : vector<16xi32>
    %and3A_421 = arith.andi %gt3A_419, %lt3A_420 : vector<16xi1>
    %eq3A_422 = arith.constant 0 : i32
    %eq3A_423 = vector.broadcast %eq3A_422 : i32 to vector<16xi32>
    %eq3A_424 = arith.cmpi eq, %add3A_396, %eq3A_423 : vector<16xi32>
    %eq3A_425 = arith.cmpi eq, %add3A_396, %add3A_22 : vector<16xi32>
    %eq3A_426 = arith.cmpi eq, %add3A_396, %add3A_26 : vector<16xi32>
    %jit3A_427 = arith.constant 102 : i32
    %jit3A_428 = arith.constant 0 : i32
    %broadcast_in_dim3A_429 = vector.broadcast %jit3A_427 : i32 to vector<16xi32>
    %broadcast_in_dim3A_430 = vector.broadcast %jit3A_428 : i32 to vector<16xi32>
    %select_n3A_431 = arith.select %eq3A_426, %broadcast_in_dim3A_429, %broadcast_in_dim3A_430 : vector<16xi1>, vector<16xi32>
    %select_n3A_432 = arith.select %and3A_421, %gather3A_413, %select_n3A_431 : vector<16xi1>, vector<16xi32>
    %jit3A_433 = arith.constant 102 : i32
    %broadcast_in_dim3A_434 = vector.broadcast %jit3A_433 : i32 to vector<16xi32>
    %select_n3A_435 = arith.select %eq3A_425, %broadcast_in_dim3A_434, %select_n3A_432 : vector<16xi1>, vector<16xi32>
    %select_n3A_436 = arith.select %and3A_418, %get3A_402, %select_n3A_435 : vector<16xi1>, vector<16xi32>
    %jit3A_437 = arith.constant 101 : i32
    %broadcast_in_dim3A_438 = vector.broadcast %jit3A_437 : i32 to vector<16xi32>
    %select_n3A_439 = arith.select %eq3A_424, %broadcast_in_dim3A_438, %select_n3A_436 : vector<16xi1>, vector<16xi32>
    %swap3A_440 = arith.constant 80 : index
    %swap3A_441 = tpu.vector_load %arg13[%swap3A_440] {strides = array<i32>} : memref<128xi32, #tpu.memory_space<vmem>>, vector<16xi32>,
    tpu.vector_store %arg13[%swap3A_440], %select_n3A_439 {strides = array<i32>} : memref<128xi32, #tpu.memory_space<vmem>>, vector<16xi32>,
    %add3A_442 = arith.constant 96 : i32
    %add3A_443 = arith.addi %mul3A_0, %add3A_442 : i32
    %add3A_444 = vector.broadcast %add3A_443 : i32 to vector<16xi32>
    %add3A_445 = arith.addi %iota3A, %add3A_444 : vector<16xi32>
    %add3A_446 = arith.constant 96 : i32
    %add3A_447 = arith.addi %mul3A_0, %add3A_446 : i32
    %sub3A_448 = arith.constant 1 : i32
    %sub3A_449 = arith.subi %add3A_447, %sub3A_448 : i32
    %get3A_450 = arith.index_cast %sub3A_449 : i32 to index
    %get3A_451 = tpu.vector_load %arg11[%get3A_450] {strides = array<i32>} : memref<128xi32, #tpu.memory_space<vmem>>, vector<16xi32>,
    %sub3A_452 = arith.constant 2 : i32
    %sub3A_453 = vector.broadcast %sub3A_452 : i32 to vector<16xi32>
    %sub3A_454 = arith.subi %add3A_445, %sub3A_453 : vector<16xi32>
    %sub3A_455 = arith.subi %sub3A_454, %min3A : vector<16xi32>
    %jit3A_456 = arith.constant 0 : i32
    %jit3A_457 = arith.constant 127 : i32
    %max3A_458 = vector.broadcast %jit3A_456 : i32 to vector<16xi32>
    %max3A_459 = arith.maxsi %max3A_458, %sub3A_455 : vector<16xi32>
    %min3A_460 = vector.broadcast %jit3A_457 : i32 to vector<16xi32>
    %min3A_461 = arith.minsi %min3A_460, %max3A_459 : vector<16xi32>
    %gather3A_462 = tpu.vector_load_idx %arg12[%min3A_461] : memref<128xi32, #tpu.memory_space<vmem>>[vector<16xi32>], vector<16xi32>,
    %ge3A_463 = arith.constant 1 : i32
    %ge3A_464 = vector.broadcast %ge3A_463 : i32 to vector<16xi32>
    %ge3A_465 = arith.cmpi sge, %add3A_445, %ge3A_464 : vector<16xi32>
    %lt3A_466 = arith.cmpi slt, %add3A_445, %add3A_22 : vector<16xi32>
    %and3A_467 = arith.andi %ge3A_465, %lt3A_466 : vector<16xi1>
    %gt3A_468 = arith.cmpi sgt, %add3A_445, %add3A_22 : vector<16xi32>
    %lt3A_469 = arith.cmpi slt, %add3A_445, %add3A_26 : vector<16xi32>
    %and3A_470 = arith.andi %gt3A_468, %lt3A_469 : vector<16xi1>
    %eq3A_471 = arith.constant 0 : i32
    %eq3A_472 = vector.broadcast %eq3A_471 : i32 to vector<16xi32>
    %eq3A_473 = arith.cmpi eq, %add3A_445, %eq3A_472 : vector<16xi32>
    %eq3A_474 = arith.cmpi eq, %add3A_445, %add3A_22 : vector<16xi32>
    %eq3A_475 = arith.cmpi eq, %add3A_445, %add3A_26 : vector<16xi32>
    %jit3A_476 = arith.constant 102 : i32
    %jit3A_477 = arith.constant 0 : i32
    %broadcast_in_dim3A_478 = vector.broadcast %jit3A_476 : i32 to vector<16xi32>
    %broadcast_in_dim3A_479 = vector.broadcast %jit3A_477 : i32 to vector<16xi32>
    %select_n3A_480 = arith.select %eq3A_475, %broadcast_in_dim3A_478, %broadcast_in_dim3A_479 : vector<16xi1>, vector<16xi32>
    %select_n3A_481 = arith.select %and3A_470, %gather3A_462, %select_n3A_480 : vector<16xi1>, vector<16xi32>
    %jit3A_482 = arith.constant 102 : i32
    %broadcast_in_dim3A_483 = vector.broadcast %jit3A_482 : i32 to vector<16xi32>
    %select_n3A_484 = arith.select %eq3A_474, %broadcast_in_dim3A_483, %select_n3A_481 : vector<16xi1>, vector<16xi32>
    %select_n3A_485 = arith.select %and3A_467, %get3A_451, %select_n3A_484 : vector<16xi1>, vector<16xi32>
    %jit3A_486 = arith.constant 101 : i32
    %broadcast_in_dim3A_487 = vector.broadcast %jit3A_486 : i32 to vector<16xi32>
    %select_n3A_488 = arith.select %eq3A_473, %broadcast_in_dim3A_487, %select_n3A_485 : vector<16xi1>, vector<16xi32>
    %swap3A_489 = arith.constant 96 : index
    %swap3A_490 = tpu.vector_load %arg13[%swap3A_489] {strides = array<i32>} : memref<128xi32, #tpu.memory_space<vmem>>, vector<16xi32>,
    tpu.vector_store %arg13[%swap3A_489], %select_n3A_488 {strides = array<i32>} : memref<128xi32, #tpu.memory_space<vmem>>, vector<16xi32>,
    %add3A_491 = arith.constant 112 : i32
    %add3A_492 = arith.addi %mul3A_0, %add3A_491 : i32
    %add3A_493 = vector.broadcast %add3A_492 : i32 to vector<16xi32>
    %add3A_494 = arith.addi %iota3A, %add3A_493 : vector<16xi32>
    %add3A_495 = arith.constant 112 : i32
    %add3A_496 = arith.addi %mul3A_0, %add3A_495 : i32
    %sub3A_497 = arith.constant 1 : i32
    %sub3A_498 = arith.subi %add3A_496, %sub3A_497 : i32
    %get3A_499 = arith.index_cast %sub3A_498 : i32 to index
    %get3A_500 = tpu.vector_load %arg11[%get3A_499] {strides = array<i32>} : memref<128xi32, #tpu.memory_space<vmem>>, vector<16xi32>,
    %sub3A_501 = arith.constant 2 : i32
    %sub3A_502 = vector.broadcast %sub3A_501 : i32 to vector<16xi32>
    %sub3A_503 = arith.subi %add3A_494, %sub3A_502 : vector<16xi32>
    %sub3A_504 = arith.subi %sub3A_503, %min3A : vector<16xi32>
    %jit3A_505 = arith.constant 0 : i32
    %jit3A_506 = arith.constant 127 : i32
    %max3A_507 = vector.broadcast %jit3A_505 : i32 to vector<16xi32>
    %max3A_508 = arith.maxsi %max3A_507, %sub3A_504 : vector<16xi32>
    %min3A_509 = vector.broadcast %jit3A_506 : i32 to vector<16xi32>
    %min3A_510 = arith.minsi %min3A_509, %max3A_508 : vector<16xi32>
    %gather3A_511 = tpu.vector_load_idx %arg12[%min3A_510] : memref<128xi32, #tpu.memory_space<vmem>>[vector<16xi32>], vector<16xi32>,
    %ge3A_512 = arith.constant 1 : i32
    %ge3A_513 = vector.broadcast %ge3A_512 : i32 to vector<16xi32>
    %ge3A_514 = arith.cmpi sge, %add3A_494, %ge3A_513 : vector<16xi32>
    %lt3A_515 = arith.cmpi slt, %add3A_494, %add3A_22 : vector<16xi32>
    %and3A_516 = arith.andi %ge3A_514, %lt3A_515 : vector<16xi1>
    %gt3A_517 = arith.cmpi sgt, %add3A_494, %add3A_22 : vector<16xi32>
    %lt3A_518 = arith.cmpi slt, %add3A_494, %add3A_26 : vector<16xi32>
    %and3A_519 = arith.andi %gt3A_517, %lt3A_518 : vector<16xi1>
    %eq3A_520 = arith.constant 0 : i32
    %eq3A_521 = vector.broadcast %eq3A_520 : i32 to vector<16xi32>
    %eq3A_522 = arith.cmpi eq, %add3A_494, %eq3A_521 : vector<16xi32>
    %eq3A_523 = arith.cmpi eq, %add3A_494, %add3A_22 : vector<16xi32>
    %eq3A_524 = arith.cmpi eq, %add3A_494, %add3A_26 : vector<16xi32>
    %jit3A_525 = arith.constant 102 : i32
    %jit3A_526 = arith.constant 0 : i32
    %broadcast_in_dim3A_527 = vector.broadcast %jit3A_525 : i32 to vector<16xi32>
    %broadcast_in_dim3A_528 = vector.broadcast %jit3A_526 : i32 to vector<16xi32>
    %select_n3A_529 = arith.select %eq3A_524, %broadcast_in_dim3A_527, %broadcast_in_dim3A_528 : vector<16xi1>, vector<16xi32>
    %select_n3A_530 = arith.select %and3A_519, %gather3A_511, %select_n3A_529 : vector<16xi1>, vector<16xi32>
    %jit3A_531 = arith.constant 102 : i32
    %broadcast_in_dim3A_532 = vector.broadcast %jit3A_531 : i32 to vector<16xi32>
    %select_n3A_533 = arith.select %eq3A_523, %broadcast_in_dim3A_532, %select_n3A_530 : vector<16xi1>, vector<16xi32>
    %select_n3A_534 = arith.select %and3A_516, %get3A_500, %select_n3A_533 : vector<16xi1>, vector<16xi32>
    %jit3A_535 = arith.constant 101 : i32
    %broadcast_in_dim3A_536 = vector.broadcast %jit3A_535 : i32 to vector<16xi32>
    %select_n3A_537 = arith.select %eq3A_522, %broadcast_in_dim3A_536, %select_n3A_534 : vector<16xi1>, vector<16xi32>
    %swap3A_538 = arith.constant 112 : index
    %swap3A_539 = tpu.vector_load %arg13[%swap3A_538] {strides = array<i32>} : memref<128xi32, #tpu.memory_space<vmem>>, vector<16xi32>,
    tpu.vector_store %arg13[%swap3A_538], %select_n3A_537 {strides = array<i32>} : memref<128xi32, #tpu.memory_space<vmem>>, vector<16xi32>,
    %dma_start3A_540 = tpu.memref_slice %arg6[%arg1, %mul3A_0] : memref<16x128xi32, #tpu.memory_space<hbm>> -> memref<1x128xi32, #tpu.memory_space<hbm>>
    %dma_start3A_541 = tpu.memref_squeeze %dma_start3A_540 : memref<1x128xi32, #tpu.memory_space<hbm>> -> memref<128xi32, #tpu.memory_space<hbm>>
    %dma_start3A_542 = tpu.memref_slice %arg6[%arg1, %mul3A_0] : memref<16x128xi32, #tpu.memory_space<hbm>> -> memref<1x128xi32, #tpu.memory_space<hbm>>
    %dma_start3A_543 = tpu.memref_squeeze %dma_start3A_542 : memref<1x128xi32, #tpu.memory_space<hbm>> -> memref<128xi32, #tpu.memory_space<hbm>>
    tpu.enqueue_dma source(%arg13 : memref<128xi32, #tpu.memory_space<vmem>>) target(%dma_start3A_543 : memref<128xi32, #tpu.memory_space<hbm>>) target_semaphore(%arg18 : memref<!tpu.dma_semaphore, #tpu.memory_space<semaphore_mem>>)
    %dma_wait3A_544 = tpu.memref_slice %arg6[%arg1, %mul3A_0] : memref<16x128xi32, #tpu.memory_space<hbm>> -> memref<1x128xi32, #tpu.memory_space<hbm>>
    %dma_wait3A_545 = tpu.memref_squeeze %dma_wait3A_544 : memref<1x128xi32, #tpu.memory_space<hbm>> -> memref<128xi32, #tpu.memory_space<hbm>>
    %dma_wait3A_546 = tpu.memref_slice %arg6[%arg1, %mul3A_0] : memref<16x128xi32, #tpu.memory_space<hbm>> -> memref<1x128xi32, #tpu.memory_space<hbm>>
    %dma_wait3A_547 = tpu.memref_squeeze %dma_wait3A_546 : memref<1x128xi32, #tpu.memory_space<hbm>> -> memref<128xi32, #tpu.memory_space<hbm>>
    tpu.wait_dma2 semaphore(%arg18 : memref<!tpu.dma_semaphore, #tpu.memory_space<semaphore_mem>>) src(%arg13 : memref<128xi32, #tpu.memory_space<vmem>>) dst(%dma_wait3A_547 : memref<128xi32, #tpu.memory_space<hbm>>)
    %dma_wait3A_548 = tpu.memref_slice %arg7[%arg1, %mul3A_0] : memref<16x128xi32, #tpu.memory_space<hbm>> -> memref<1x128xi32, #tpu.memory_space<hbm>>
    %dma_wait3A_549 = tpu.memref_squeeze %dma_wait3A_548 : memref<1x128xi32, #tpu.memory_space<hbm>> -> memref<128xi32, #tpu.memory_space<hbm>>
    %dma_wait3A_550 = tpu.memref_slice %arg7[%arg1, %mul3A_0] : memref<16x128xi32, #tpu.memory_space<hbm>> -> memref<1x128xi32, #tpu.memory_space<hbm>>
    %dma_wait3A_551 = tpu.memref_squeeze %dma_wait3A_550 : memref<1x128xi32, #tpu.memory_space<hbm>> -> memref<128xi32, #tpu.memory_space<hbm>>
    tpu.wait_dma2 semaphore(%arg18 : memref<!tpu.dma_semaphore, #tpu.memory_space<semaphore_mem>>) src(%arg14 : memref<128xi32, #tpu.memory_space<vmem>>) dst(%dma_wait3A_551 : memref<128xi32, #tpu.memory_space<hbm>>)
    %dma_wait3A_552 = tpu.memref_slice %arg8[%arg1, %mul3A_0] : memref<16x128xi32, #tpu.memory_space<hbm>> -> memref<1x128xi32, #tpu.memory_space<hbm>>
    %dma_wait3A_553 = tpu.memref_squeeze %dma_wait3A_552 : memref<1x128xi32, #tpu.memory_space<hbm>> -> memref<128xi32, #tpu.memory_space<hbm>>
    %dma_wait3A_554 = tpu.memref_slice %arg8[%arg1, %mul3A_0] : memref<16x128xi32, #tpu.memory_space<hbm>> -> memref<1x128xi32, #tpu.memory_space<hbm>>
    %dma_wait3A_555 = tpu.memref_squeeze %dma_wait3A_554 : memref<1x128xi32, #tpu.memory_space<hbm>> -> memref<128xi32, #tpu.memory_space<hbm>>
    tpu.wait_dma2 semaphore(%arg18 : memref<!tpu.dma_semaphore, #tpu.memory_space<semaphore_mem>>) src(%arg15 : memref<128xi32, #tpu.memory_space<vmem>>) dst(%dma_wait3A_555 : memref<128xi32, #tpu.memory_space<hbm>>)
    return
  }
}

</mosaic_0001>

<sc_bundles>
// kernel: kernel.3.cloned.1.call-start
scs
__scs_entry_jumppad:
0x0: {  	(pc) =	sbr.rel $0x88, $3  }
0x1: {  	(tag) =	ssettag $0x0;
	lr =	simm.s32 $0x1  }
0x2: {  	[smem:$0x3F9D] =	sst lr;
	_ =	strace $0xD0000000  }
0x3: {  	_ = 	snop  }
0x4: {  	_ = 	snop  }
0x5: {  	_ = 	snop  }
0x6: {  	_ = 	snop  }
0x7: {  	_ = 	snop  }
__scs_overlays_trampoline_lowered:
0x8: {  	[smem:$0x3FAC] =	sst s0  }
0x9: {  	[smem:$0x3FAD] =	sst s1  }
0xa: {  	[smem:$0x3FAE] =	sst s2  }
0xb: {  	[smem:$0x3FAF] =	sst s3  }
0xc: {  	[smem:$0x3FB0] =	sst s4  }
0xd: {  	[smem:$0x3FB1] =	sst s5  }
0xe: {  	[smem:$0x3FB2] =	sst s6  }
0xf: {  	[smem:$0x3FB3] =	sst s7  }
0x10: {  	[smem:$0x3FB4] =	sst s8  }
0x11: {  	[smem:$0x3FB5] =	sst s9;
	s0 =	simm.s32 @!p0 $0x0  }
0x12: {  	s1 =	sld [smem:$0x3F9B];
	s0 =	simm.s32 @p0 $0x1  }
0x13: {  	[smem:$0x3FB6] =	sst s0;
	s0 =	simm.s32 @!p1 $0x0  }
0x14: {  	s2 =	sld [smem:$0x3F9A];
	s0 =	simm.s32 @p1 $0x1  }
0x15: {  	[smem:$0x3FB7] =	sst s0;
	s0 =	simm.s32 @!p2 $0x0  }
0x16: {  	s3 =	sld [smem:$0x3FDB];
	s0 =	simm.s32 @p2 $0x1  }
0x17: {  	s4 =	simm.s32 $0x1BF5;
	[smem:$0x3FB9] =	sst s0  }
0x18: {  	s0 =	sld [smem:$0x3F9C];
	_ =	swait.ge [sflag:s4], $0x0  }
0x19: {  	s7 =	sld [smem:$0x3F9D]  }
0x1a: {  	s8 =	sadd.s32 $0xFFFFE003, lr  }
0x1b: {  	s9 =	sadd.s32 $0xFFFFFEF7, lr;
	s5 =	simm.s32 $0xFFFFFFFF;
	p2 =	slt.u32 s8, $0xFFFFF086  }
0x1c: {  	p1 =	slt.u32 s9, $0xF7A;
	s5 =	simm.s32 @!p2 $0x0  }
0x1d: {  	s5 =	simm.s32 @p1 $0x1;
	p0 =	seq.s32 s7, s2  }
0x1e: {  	s7 =	smul.u32 @!p0 $0xF7A, s2;
	p2 =	seq.s32 @!p0 s5, $0x0  }
0x1f: {  	s9 =	smul.u32 $0xF7A, s1;
	s8 =	simm.s32 @!p0 $0x1BF5;
	p2 =	por !p2, p0  }
0x20: {  	[sflag:s8] =	ssyncset.s32 @!p0 $0xFFFFF086;
	s6 =	sadd.s32 @!p0 s3, s7;
	s7 =	simm.s32 @!p0 $0x108  }
0x21: {  	s3 =	sadd.s32 s3, s9;
	s6 =	sadd.s32 @!p0 $0x88, s6;
	s7 =	simm.s32 @p2 $0x1082  }
0x22: {  	[simem:s7], [sflag:s8] =	dma.local @!p0 [hbm:s6], $0xF7A  }
0x23: {  	s9 =	sor.u32 $0xD0000000, s2;
	s6 =	simm.s32 $0x108;
	_ =	swait.ge @!p0 [sflag:s8], $0x0  }
0x24: {  	s3 =	sadd.s32 $0x88, s3;
	s6 =	simm.s32 @!p1 $0x1082;
	[sflag:s4] =	ssyncset.s32 $0xFFFFF086  }
0x25: {  	[simem:s6], [sflag:s4] =	dma.local [hbm:s3], $0xF7A  }
0x26: {  	[smem:$0x3F9D] =	sst s1;
	(tag) =	ssettag s2;
	_ =	strace s9  }
0x27: {  	s1 =	sld [smem:$0x3FAD]  }
0x28: {  	s2 =	sld [smem:$0x3FAE]  }
0x29: {  	s4 =	sld [smem:$0x3FB0]  }
0x2a: {  	p0 =	seq.s32 s5, $0x0;
	s5 =	sld [smem:$0x3FB1]  }
0x2b: {  	s6 =	sld [smem:$0x3FB2]  }
0x2c: {  	s7 =	sld [smem:$0x3FB3]  }
0x2d: {  	s3 =	simm.s32 $0x108;
	s8 =	sld [smem:$0x3FB4]  }
0x2e: {  	s3 =	simm.s32 @!p0 $0x1082;
	s9 =	sld [smem:$0x3FB5]  }
0x2f: {  	lr =	sadd.s32 s0, s3;
	s0 =	sld [smem:$0x3FAC]  }
0x30: {  	s3 =	sld [smem:$0x3FAF]  }
0x31: {  	[smem:$0x3FB8] =	sst s10  }
0x32: {  	s10 =	sld [smem:$0x3FB6];
	_ =	sdelay $0x3  }
0x33: {  	p0 =	seq.s32 s10, $0x1;
	s10 =	sld [smem:$0x3FB8];
	_ =	sdelay $0x3  }
0x34: {  	[smem:$0x3FB8] =	sst s10  }
0x35: {  	s10 =	sld [smem:$0x3FB7];
	_ =	sdelay $0x3  }
0x36: {  	p1 =	seq.s32 s10, $0x1;
	s10 =	sld [smem:$0x3FB8];
	_ =	sdelay $0x3  }
0x37: {  	[smem:$0x3FB8] =	sst s10  }
0x38: {  	s10 =	sld [smem:$0x3FB9]  }
0x39: {  	_ = 	snop;
	(pc) =	sbr.ind lr, $3  }
0x3a: {  	_ = 	snop  }
0x3b: {  	_ = 	snop  }
0x3c: {  	p2 =	seq.s32 s10, $0x1;
	s10 =	sld [smem:$0x3FB8]  }
0x3d: {  	_ =	shalt  }
0x3e: {  	_ =	shalt  }
0x3f: {  	_ =	shalt  }
0x40: {  	_ =	shalt  }
0x41: {  	_ =	shalt  }
0x42: {  	_ =	shalt  }
0x43: {  	_ =	shalt  }
0x44: {  	_ =	shalt  }
0x45: {  	_ =	shalt  }
0x46: {  	_ =	shalt  }
0x47: {  	_ =	shalt  }
0x48: {  	_ =	shalt  }
0x49: {  	_ =	shalt  }
0x4a: {  	_ =	shalt  }
0x4b: {  	_ =	shalt  }
0x4c: {  	_ =	shalt  }
0x4d: {  	_ =	shalt  }
0x4e: {  	_ =	shalt  }
0x4f: {  	_ =	shalt  }
0x50: {  	_ =	shalt  }
0x51: {  	_ =	shalt  }
0x52: {  	_ =	shalt  }
0x53: {  	_ =	shalt  }
0x54: {  	_ =	shalt  }
0x55: {  	_ =	shalt  }
0x56: {  	_ =	shalt  }
0x57: {  	_ =	shalt  }
0x58: {  	_ =	shalt  }
0x59: {  	_ =	shalt  }
0x5a: {  	_ =	shalt  }
0x5b: {  	_ =	shalt  }
0x5c: {  	_ =	shalt  }
0x5d: {  	_ =	shalt  }
0x5e: {  	_ =	shalt  }
0x5f: {  	_ =	shalt  }
0x60: {  	_ =	shalt  }
0x61: {  	_ =	shalt  }
0x62: {  	_ =	shalt  }
0x63: {  	_ =	shalt  }
0x64: {  	_ =	shalt  }
0x65: {  	_ =	shalt  }
0x66: {  	_ =	shalt  }
0x67: {  	_ =	shalt  }
0x68: {  	_ =	shalt  }
0x69: {  	_ =	shalt  }
0x6a: {  	_ =	shalt  }
0x6b: {  	_ =	shalt  }
0x6c: {  	_ =	shalt  }
0x6d: {  	_ =	shalt  }
0x6e: {  	_ =	shalt  }
0x6f: {  	_ =	shalt  }
0x70: {  	_ =	shalt  }
0x71: {  	_ =	shalt  }
0x72: {  	_ =	shalt  }
0x73: {  	_ =	shalt  }
0x74: {  	_ =	shalt  }
0x75: {  	_ =	shalt  }
0x76: {  	_ =	shalt  }
0x77: {  	_ =	shalt  }
0x78: {  	_ =	shalt  }
0x79: {  	_ =	shalt  }
0x7a: {  	_ =	shalt  }
0x7b: {  	_ =	shalt  }
0x7c: {  	_ =	shalt  }
0x7d: {  	_ =	shalt  }
0x7e: {  	_ =	shalt  }
0x7f: {  	_ =	shalt  }
0x80: {  	_ =	shalt  }
0x81: {  	_ =	shalt  }
0x82: {  	_ =	shalt  }
0x83: {  	_ =	shalt  }
0x84: {  	_ =	shalt  }
0x85: {  	_ =	shalt  }
0x86: {  	_ =	shalt  }
0x87: {  	_ =	shalt  }
.Lfunc_end0:
.L_simem_size_0:
called_computation_lowered:
.L_overlay_start_0:
0x88: {  	s0 =	sld [smem:$0x3FD9]  }
0x89: {  	s1 =	sld [smem:$0x3FFE];
	_ =	sdelay $0x3  }
0x8a: {  	s0 =	sadd.s32 s1, s0  }
0x8b: {  	[smem:$0x3FC4] =	sst s0  }
0x8c: {  	_ = 	snop  }
0x8d: {  	s0 =	sld [smem:$0x3FC9]  }
0x8e: {  	s14 =	sld [smem:$0x3FD0]  }
0x8f: {  	s2 =	sld [smem:$0x3FC8]  }
0x90: {  	s3 =	sld [smem:$0x3FC7]  }
0x91: {  	s5 =	simm.s32 $0xA;
	s6 =	simm.s32 $0x10;
	s4 =	sld [smem:$0x3FC6]  }
0x92: {  	[smem:s6], [sflag:s5] =	dma.local [hbm:s14], $0x1  }
0x93: {  	_ =	swait.eq [sflag:s5], $0x1  }
0x94: {  	s15 =	sld [smem:$0x10];
	[sflag:s5] =	ssyncset.done $0x0  }
0x95: {  	s16 =	sld [smem:$0x11];
	[sflag:s5] =	ssyncadd.s32 $0xFFFFFFFF  }
0x96: {  	s17 =	sld [smem:$0x12];
	(tm) =	ssettm $0x1  }
0x97: {  	s7 =	sld [smem:$0x3FFB];
	_ =	sdelay $0x3  }
0x98: {  	_ =	strace s7  }
0x99: {  	s7 =	sld [smem:$0x3FFC];
	_ =	sdelay $0x3  }
0x9a: {  	_ =	strace s7  }
0x9b: {  	s7 =	sld [smem:$0x3FFD];
	_ =	sdelay $0x3  }
0x9c: {  	_ =	strace s7  }
0x9d: {  	_ =	strace $0x8FFFFFFF  }
0x9e: {  	s18 =	sld [smem:$0x3FDB];
	_ =	sdelay $0x1  }
0x9f: {  	s8 =	simm.s32 $_scs_section_size  }
0xa0: {  	s9 =	simm.s32 $_size__tile_overlayer_lowered;
	s10 =	simm.s32 $_tile_overlayer_lowered  }
0xa1: {  	s21 =	simm.s32 $0x1BFF;
	s20 =	sshll.u32 s10, $0x1;
	s7 =	sadd.s32 s8, s18  }
0xa2: {  	s11 =	simm.s32 $0x0;
	s19 =	sshll.u32 s9, $0x1;
	s9 =	sadd.s32 s20, s7  }
0xa3: {  	[timem:s11], [sflag:s21] =	dma.local [hbm:s9], s19  }
0xa4: {  	_ =	swait.ge [sflag:s21], s19  }
0xa5: {  	s8 =	ssub.s32 $0x0, s19;
	[sflag:s21] =	ssyncset.done $0x0  }
0xa6: {  	[sflag:s21] =	ssyncadd.s32 s8;
	_ =	sdelay $0x1  }
0xa7: {  	s22 =	simm.s32 $0x1B8B  }
0xa8: {  	_ =	swait.ge [sflag:s22], $0x1  }
0xa9: {  	[sflag:s22] =	ssyncset.done $0x0  }
0xaa: {  	s23 =	simm.s32 $0x1B8E;
	[sflag:s22] =	ssyncadd.s32 $0xFFFFFFFF  }
0xab: {  	s24 =	simm.s32 $execute0_lowered;
	[smem:$0x3FD2] =	sst s23  }
0xac: {  	s8 =	sshll.u32 s24, $0x1;
	_ =	strace $0x80000046;
	[dreg:$0x1] =	wrdreg $0xFFFFFFFF  }
0xad: {  	s25 =	simm.s32 $_size_execute0_lowered;
	s7 =	sadd.s32 s7, s8;
	[dreg:$0x0] =	wrdreg $0x0  }
0xae: {  	s8 =	sshll.u32 s25, $0x1;
	[dreg:$0x2] =	wrdreg s7  }
0xaf: {  	[dreg:$0x3] =	wrdreg s8  }
0xb0: {  	[dreg:$0x4] =	wrdreg $0xC0  }
0xb1: {  	_ =	task [dreg:s11], $0x5FFFF  }
0xb2: {  	[dreg:$0x1] =	wrdreg $0xFFFFFFFF  }
0xb3: {  	[dreg:$0x0] =	wrdreg $0x60  }
0xb4: {  	[dreg:$0x2] =	wrdreg s0  }
0xb5: {  	[dreg:$0x3] =	wrdreg s2  }
0xb6: {  	[dreg:$0x4] =	wrdreg s3  }
0xb7: {  	[dreg:$0x5] =	wrdreg s4  }
0xb8: {  	[dreg:$0x6] =	wrdreg s15  }
0xb9: {  	[dreg:$0x7] =	wrdreg s16  }
0xba: {  	[dreg:$0x8] =	wrdreg s17  }
0xbb: {  	[dreg:$0x9] =	wrdreg $0x9  }
0xbc: {  	_ =	task.clear_ibuf [dreg:s11], $0xAFFFF;
	_ =	strace $0x90000046  }
0xbd: {  	s26 =	simm.s32 $0x9;
	_ =	strace $0x80000048  }
0xbe: {  	_ =	swait.ge [sflag:s26], $0x1  }
0xbf: {  	[sflag:s26] =	ssyncadd.s32 $0xFFFFFFFF  }
0xc0: {  	_ =	strace $0x90000048  }
0xc1: {  	_ =	sfence  }
0xc2: {  	s28 =	sld [smem:$0x0];
	_ =	sdelay $0x1  }
0xc3: {  	s29 =	srdreg.scid  }
0xc4: {  	s30 =	sshll.u32 s29, $0xD;
	s31 =	sshrl.u32 s29, $0x2  }
0xc5: {  	s1 =	sand.u32 $0x1, s29;
	s2 =	sand.u32 $0x4000, s30;
	s0 =	sadd.s32 s31, s28  }
0xc6: {  	s1 =	sor.u32 s2, s1;
	s0 =	sshll.u32 s0, $0x11  }
0xc7: {  	s0 =	sor.u32 s0, s1  }
0xc8: {  	s0 =	sadd.s32 $0x8F2B, s0  }
0xc9: {  	[sflag:s0] =	ssyncadd.remote.s32 $0x1  }
0xca: {  	_ =	sfence.sel $0xFFFF  }
0xcb: {  	[dreg:$0x0] =	wrdreg $0xFFFFFFFF;
	(pc) =	sbr.abs _section_cstart, $3  }
0xcc: {  	[dreg:$0x1] =	wrdreg $0xFFFFFFFF  }
0xcd: {  	_ =	task.clear_ibuf [dreg:s11], $0x2FFFF;
	_ =	strace $0x9FFFFFFF  }
0xce: {  	(tm) =	ssettm $0x7FFFFFFF  }
0xcf: {  	_ =	shalt  }
tec
execute0_lowered:
.L_overlay_start_1:
0x0: {  	(tag) =	ssettag $0x1  }
0x1: {  	s4 =	rddreg [dreg:$0x0]  }
0x2: {  	s10 =	rddreg [dreg:$0x1]  }
0x3: {  	s11 =	rddreg [dreg:$0x2]  }
0x4: {  	s12 =	rddreg [dreg:$0x3];
	s0 =	stileid.u32  }
0x5: {  	s2 =	rddreg [dreg:$0x4];
	s9 =	sshrl.u32 s0, $0x3;
	s1 =	sshll.u32 s0, $0x7  }
0x6: {  	s8 =	rddreg [dreg:$0x5];
	s5 =	sand.u32 $0x380, s1;
	s6 =	sshll.u32 s9, $0xC  }
0x7: {  	s7 =	rddreg [dreg:$0x6];
	s3 =	simm.s32 $0x0;
	s6 =	sor.u32 s5, s6  }
0x8: {  	s22 =	simm.s32 $0x100;
	[smem:$0x7FF] =	sst s3;
	s13 =	sshrl.u32 s6, $0x3  }
0x9: {  	s1 =	rddreg [dreg:$0x7];
	_ =	strace $0x80000047;
	s4 =	sadd.s32 s4, s13  }
0xa: {  	[tilespmem:s22], [sflag:$0x2] =	stream.linear.gather [hbm4b:s4+s3], $0x80, $0x38;
	[tilespmem:$0x380] =	vst v63  }
0xb: {  	s23 =	simm.s32 $0x180;
	s11 =	sadd.s32 s11, s13  }
0xc: {  	[tilespmem:s23], [sflag:$0x2] =	stream.linear.gather [hbm4b:s11+s3], $0x80, $0x38;
	[tilespmem:$0x380] =	vst v63  }
0xd: {  	_ = 	snop  }
0xe: {  	[tilespmem:s3], [sflag:$0x1] =	stream.linear.gather [hbm4b:s10+s3], $0x80, $0x38;
	[tilespmem:$0x380] =	vst v63  }
0xf: {  	s24 =	simm.s32 $0x80;
	s25 =	simm.s32 $0x1  }
0x10: {  	[tilespmem:s24], [sflag:$0x1] =	stream.linear.gather [hbm4b:s12+s3], $0x80, $0x38;
	[tilespmem:$0x380] =	vst v63  }
0x11: {  	_ =	swait.ge [sflag:s25], $0x80  }
0x12: {  	v0 =	vmov s0;
	[sflag:s25] =	ssyncset.done $0x0  }
0x13: {  	[sflag:s25] =	ssyncadd.s32 $0xFFFFFF80  }
0x14: {  	_ =	swait.ge [sflag:s25], $0x80  }
0x15: {  	[sflag:s25] =	ssyncset.done $0x0  }
0x16: {  	[sflag:s25] =	ssyncadd.s32 $0xFFFFFF80  }
0x17: {  	v1 =	vld.idx.msk [tilespmem:v0+s24+$0x0], $0xffff;
	_ =	sdelay $0x2  }
0x18: {  	v0 =	vld.idx.msk [tilespmem:v0+s3+$0x0], $0xffff;
	_ =	sdelay $0x1  }
0x19: {  	v2 =	vsub.s32 $0x7D, v1  }
0x1a: {  	vm0 =	vgt.s32 v2, $0x3F  }
0x1b: {  	v2 =	vnsel vm0, $0x3F, v2  }
0x1c: {  	vm0 =	vlt.s32 v0, v2  }
0x1d: {  	v4 =	vlaneseq.u32;
	v63 =	vimm.s32 $0x0;
	v3 =	vsel vm0, v0, v2  }
0x1e: {  	v62 =	vadd.s32 $0xFFFFFFFF, v4;
	v6 =	vadd.s32 $0xF, v4;
	v0 =	vsub.s32 $0x7D, v3  }
0x1f: {  	v11 =	vor.u32 $0x10, v4;
	v8 =	vadd.s32 $0x1F, v4;
	vm12 =	vlt.s32 v1, v0  }
0x20: {  	v10 =	vor.u32 $0x20, v4;
	v17 =	vadd.s32 $0x2F, v4;
	v0 =	vsel vm12, v1, v0  }
0x21: {  	v9 =	vor.u32 $0x30, v4;
	v20 =	vadd.s32 $0x3F, v4;
	v0 =	vadd.s32 v0, v3  }
0x22: {  	v21 =	vor.u32 $0x40, v4;
	v24 =	vadd.s32 $0x4F, v4;
	v1 =	vadd.s32 $0x2, v0  }
0x23: {  	v26 =	vor.u32 $0x50, v4;
	v27 =	vadd.s32 $0x5F, v4;
	vm13 =	vgt.s32 v1, v62  }
0x24: {  	v28 =	vor.u32 $0x60, v4;
	vm14 =	vgt.s32 v1, v6;
	v5 =	vsel vm13, $0x1, v63  }
0x25: {  	v13 =	vadd.s32 $0x6F, v4;
	vm15 =	vgt.s32 v1, v8;
	v6 =	vsel vm14, $0x1, v63;
	[tilespmem:$0x280] =	vst v5  }
0x26: {  	v31 =	vor.u32 $0x70, v4;
	vm1 =	vgt.s32 v1, v17;
	v16 =	vsel vm15, $0x1, v63;
	[tilespmem:$0x290] =	vst v6  }
0x27: {  	v0 =	vadd.s32 $0x1, v3;
	vm9 =	vgt.s32 v1, v20;
	v19 =	vsel vm1, $0x1, v63;
	[tilespmem:$0x2A0] =	vst v16  }
0x28: {  	vm7 =	vlt.s32 v0, v4;
	vm10 =	vgt.s32 v1, v24;
	v23 =	vsel vm9, $0x1, v63;
	[tilespmem:$0x2B0] =	vst v19  }
0x29: {  	vm6 =	vlt.s32 v0, v11;
	vm12 =	vgt.s32 v1, v13;
	v12 =	vsel vm10, $0x1, v63;
	[tilespmem:$0x2C0] =	vst v23  }
0x2a: {  	vm4 =	vlt.s32 v0, v9;
	vm0 =	vmand vm7, vm13;
	v33 =	vsel vm12, $0x1, v63;
	[tilespmem:$0x2D0] =	vst v12  }
0x2b: {  	vm5 =	vlt.s32 v0, v10;
	vm8 =	vmand vm4, vm1;
	v7 =	vsel vm0, $0x1, v63;
	[tilespmem:$0x2F0] =	vst v33  }
0x2c: {  	vm3 =	vlt.s32 v0, v21;
	vm0 =	vmand vm6, vm14;
	v22 =	vsel vm8, $0x1, v63;
	[tilespmem:$0x300] =	vst v7  }
0x2d: {  	vm2 =	vlt.s32 v0, v26;
	vm8 =	vgt.s32 v1, v27;
	v15 =	vsel vm0, $0x1, v63;
	[tilespmem:$0x330] =	vst v22  }
0x2e: {  	vm1 =	vlt.s32 v0, v28;
	vm0 =	vmand vm5, vm15;
	v30 =	vsel vm8, $0x1, v63;
	[tilespmem:$0x310] =	vst v15  }
0x2f: {  	vm11 =	vmand vm1, vm8;
	v18 =	vsel vm0, $0x1, v63;
	vm0 =	vmand vm3, vm9;
	[tilespmem:$0x2E0] =	vst v30  }
0x30: {  	v32 =	vsel vm11, $0x1, v63;
	[tilespmem:$0x320] =	vst v18;
	v25 =	vsel vm0, $0x1, v63;
	vm0 =	vmand vm2, vm10  }
0x31: {  	s9 =	sshll.u32 s9, $0xA;
	[tilespmem:$0x360] =	vst v32;
	v29 =	vsel vm0, $0x1, v63;
	vm0 =	vlt.s32 v0, v31  }
0x32: {  	s5 =	sor.u32 s5, s9;
	[tilespmem:$0x340] =	vst v25;
	vm8 =	vmand vm0, vm12  }
0x33: {  	s5 =	sshrl.u32 s5, $0x3;
	[tilespmem:$0x350] =	vst v29;
	v34 =	vsel vm8, $0x1, v63  }
0x34: {  	s26 =	simm.s32 $0x280;
	v35 =	vimm.s32 $0xEDCBA987;
	s8 =	sadd.s32 s8, s5;
	[tilespmem:$0x370] =	vst v34  }
0x35: {  	v36 =	vimm.s32 $0x65432100;
	v14 =	vadd.s32 $0xFFFFFFFE, v4;
	v12 =	vunpack.c.l.s4.s8 v35;
	[hbm4b:s8+s3] =	stream.linear.scatter [tilespmem:s26], [sflag:$0x3], $0x80, $0x38;
	[tilespmem:$0x380] =	vst v63  }
0x36: {  	s28 =	simm.s32 $0x300;
	s29 =	simm.s32 $0x2;
	s7 =	sadd.s32 s7, s5;
	v14 =	vsub.s32 v14, v3;
	v13 =	vunpack.c.l.s4.s8 v36  }
0x37: {  	vm13 =	vgt.s32 v14, $0x0;
	v12 =	vunpack.c.0.s8.s32 v12;
	[hbm4b:s7+s3] =	stream.linear.scatter [tilespmem:s28], [sflag:$0x3], $0x80, $0x38;
	[tilespmem:$0x380] =	vst v63  }
0x38: {  	v13 =	vunpack.c.0.s8.s32 v13;
	v14 =	vnsel vm13, $0x0, v14;
	_ =	swait.ge [sflag:s29], $0x80  }
0x39: {  	v14 =	vmin.u32 v14, $0x7F;
	v12 =	vand.u32 $0xF, v12;
	[sflag:s29] =	ssyncset.done $0x0  }
0x3a: {  	v12 =	vcombine.low v13, v12;
	[sflag:s29] =	ssyncadd.s32 $0xFFFFFF80  }
0x3b: {  	_ =	swait.ge [sflag:s29], $0x80  }
0x3c: {  	[sflag:s29] =	ssyncset.done $0x0  }
0x3d: {  	[sflag:s29] =	ssyncadd.s32 $0xFFFFFF80  }
0x3e: {  	v37 =	vld.idx.msk [tilespmem:v14+s23+$0x0], $0xffff  }
0x3f: {  	v38 =	vadd.s32 $0xE, v4  }
0x40: {  	v12 =	vld.idx.msk [tilespmem:v12+s22+$0x0], $0xffff;
	v14 =	vsub.s32 v38, v3  }
0x41: {  	vm14 =	vgt.s32 v1, v4;
	vm9 =	veq.s32 v1, v4;
	vm10 =	vgt.s32 v14, $0x0  }
0x42: {  	vm7 =	vmand vm7, vm14;
	v15 =	vsel vm9, $0x66, v63;
	v14 =	vnsel vm10, $0x0, v14  }
0x43: {  	vm15 =	veq.s32 v0, v4;
	v14 =	vmin.u32 v14, $0x7F;
	v13 =	vsel vm7, v37, v15  }
0x44: {  	vm11 =	vgt.s32 v0, v4;
	v13 =	vsel vm15, $0x66, v13  }
0x45: {  	vm12 =	veq.s32 v4, $0x0;
	v12 =	vsel vm11, v12, v13  }
0x46: {  	v12 =	vsel vm12, $0x65, v12  }
0x47: {  	[tilespmem:$0x200] =	vst v12  }
0x48: {  	v39 =	vadd.s32 $0x1E, v4;
	v12 =	vld.idx.msk [tilespmem:v14+s23+$0x0], $0xffff  }
0x49: {  	v13 =	vsub.s32 v39, v3  }
0x4a: {  	v40 =	vld [tilespmem:$0x10F];
	vm13 =	vgt.s32 v13, $0x0  }
0x4b: {  	vm14 =	vgt.s32 v1, v11;
	vm15 =	veq.s32 v1, v11;
	v13 =	vnsel vm13, $0x0, v13  }
0x4c: {  	vm6 =	vmand vm6, vm14;
	v41 =	vsel vm15, $0x66, v63;
	v13 =	vmin.u32 v13, $0x7F  }
0x4d: {  	vm12 =	veq.s32 v0, v11;
	v12 =	vsel vm6, v12, v41  }
0x4e: {  	vm13 =	vgt.s32 v0, v11;
	v42 =	vsel vm12, $0x66, v12  }
0x4f: {  	v11 =	vsel vm13, v40, v42  }
0x50: {  	[tilespmem:$0x210] =	vst v11  }
0x51: {  	v43 =	vadd.s32 $0x2E, v4;
	v11 =	vld.idx.msk [tilespmem:v13+s23+$0x0], $0xffff  }
0x52: {  	v12 =	vsub.s32 v43, v3  }
0x53: {  	v44 =	vld [tilespmem:$0x11F];
	vm14 =	vgt.s32 v12, $0x0  }
0x54: {  	vm15 =	vgt.s32 v1, v10;
	vm12 =	veq.s32 v1, v10;
	v12 =	vnsel vm14, $0x0, v12  }
0x55: {  	vm5 =	vmand vm5, vm15;
	v45 =	vsel vm12, $0x66, v63;
	v12 =	vmin.u32 v12, $0x7F  }
0x56: {  	vm13 =	veq.s32 v0, v10;
	v11 =	vsel vm5, v11, v45  }
0x57: {  	vm14 =	vgt.s32 v0, v10;
	v46 =	vsel vm13, $0x66, v11  }
0x58: {  	v10 =	vsel vm14, v44, v46  }
0x59: {  	[tilespmem:$0x220] =	vst v10  }
0x5a: {  	v47 =	vadd.s32 $0x3E, v4;
	v10 =	vld.idx.msk [tilespmem:v12+s23+$0x0], $0xffff  }
0x5b: {  	v11 =	vsub.s32 v47, v3  }
0x5c: {  	v48 =	vld [tilespmem:$0x12F];
	vm15 =	vgt.s32 v11, $0x0  }
0x5d: {  	vm9 =	vgt.s32 v1, v9;
	vm10 =	veq.s32 v1, v9;
	v11 =	vnsel vm15, $0x0, v11  }
0x5e: {  	vm4 =	vmand vm4, vm9;
	v49 =	vsel vm10, $0x66, v63;
	v11 =	vmin.u32 v11, $0x7F  }
0x5f: {  	vm11 =	veq.s32 v0, v9;
	v10 =	vsel vm4, v10, v49  }
0x60: {  	vm12 =	vgt.s32 v0, v9;
	v50 =	vsel vm11, $0x66, v10  }
0x61: {  	v9 =	vsel vm12, v48, v50  }
0x62: {  	[tilespmem:$0x230] =	vst v9  }
0x63: {  	v51 =	vadd.s32 $0x4E, v4;
	v9 =	vld.idx.msk [tilespmem:v11+s23+$0x0], $0xffff  }
0x64: {  	v10 =	vsub.s32 v51, v3  }
0x65: {  	v52 =	vld [tilespmem:$0x13F];
	vm13 =	vgt.s32 v10, $0x0  }
0x66: {  	vm14 =	vgt.s32 v1, v21;
	vm15 =	veq.s32 v1, v21;
	v10 =	vnsel vm13, $0x0, v10  }
0x67: {  	vm3 =	vmand vm3, vm14;
	v53 =	vsel vm15, $0x66, v63;
	v10 =	vmin.u32 v10, $0x7F  }
0x68: {  	vm8 =	veq.s32 v0, v21;
	v9 =	vsel vm3, v9, v53  }
0x69: {  	vm9 =	vgt.s32 v0, v21;
	v54 =	vsel vm8, $0x66, v9  }
0x6a: {  	v8 =	vsel vm9, v52, v54  }
0x6b: {  	[tilespmem:$0x240] =	vst v8  }
0x6c: {  	v55 =	vadd.s32 $0x5E, v4;
	v8 =	vld.idx.msk [tilespmem:v10+s23+$0x0], $0xffff  }
0x6d: {  	v9 =	vsub.s32 v55, v3  }
0x6e: {  	v56 =	vld [tilespmem:$0x14F];
	vm10 =	vgt.s32 v9, $0x0  }
0x6f: {  	vm11 =	vgt.s32 v1, v26;
	vm12 =	veq.s32 v1, v26;
	v9 =	vnsel vm10, $0x0, v9  }
0x70: {  	vm2 =	vmand vm2, vm11;
	v57 =	vsel vm12, $0x66, v63;
	v9 =	vmin.u32 v9, $0x7F  }
0x71: {  	vm13 =	veq.s32 v0, v26;
	v8 =	vsel vm2, v8, v57  }
0x72: {  	vm14 =	vgt.s32 v0, v26;
	v58 =	vsel vm13, $0x66, v8  }
0x73: {  	v7 =	vsel vm14, v56, v58  }
0x74: {  	[tilespmem:$0x250] =	vst v7  }
0x75: {  	v4 =	vadd.s32 $0x6E, v4;
	v7 =	vld.idx.msk [tilespmem:v9+s23+$0x0], $0xffff  }
0x76: {  	v3 =	vsub.s32 v4, v3  }
0x77: {  	v59 =	vld [tilespmem:$0x15F];
	vm15 =	vgt.s32 v3, $0x0  }
0x78: {  	vm8 =	vgt.s32 v1, v28;
	vm9 =	veq.s32 v1, v28;
	v3 =	vnsel vm15, $0x0, v3  }
0x79: {  	vm1 =	vmand vm1, vm8;
	v60 =	vsel vm9, $0x66, v63;
	v3 =	vmin.u32 v3, $0x7F  }
0x7a: {  	vm10 =	veq.s32 v0, v28;
	v7 =	vsel vm1, v7, v60  }
0x7b: {  	vm11 =	vgt.s32 v0, v28;
	v61 =	vsel vm10, $0x66, v7  }
0x7c: {  	v4 =	vsel vm11, v59, v61  }
0x7d: {  	[tilespmem:$0x260] =	vst v4  }
0x7e: {  	v3 =	vld.idx.msk [tilespmem:v3+s23+$0x0], $0xffff;
	_ =	sdelay $0x1  }
0x7f: {  	v62 =	vld [tilespmem:$0x16F]  }
0x80: {  	vm12 =	vgt.s32 v1, v31;
	vm13 =	veq.s32 v1, v31  }
0x81: {  	vm0 =	vmand vm0, vm12;
	v1 =	vsel vm13, $0x66, v63  }
0x82: {  	vm14 =	veq.s32 v0, v31;
	v1 =	vsel vm0, v3, v1  }
0x83: {  	vm15 =	vgt.s32 v0, v31;
	v63 =	vsel vm14, $0x66, v1  }
0x84: {  	v0 =	vsel vm15, v62, v63  }
0x85: {  	s30 =	simm.s32 $0x200;
	s31 =	simm.s32 $0x3;
	s2 =	sadd.s32 s2, s5;
	[tilespmem:$0x270] =	vst v0  }
0x86: {  	[hbm4b:s2+s3] =	stream.linear.scatter [tilespmem:s30], [sflag:$0x3], $0x80, $0x38;
	[tilespmem:$0x380] =	vst v63  }
0x87: {  	_ =	swait.ge [sflag:s31], $0x80  }
0x88: {  	[sflag:s31] =	ssyncset.done $0x0  }
0x89: {  	[sflag:s31] =	ssyncadd.s32 $0xFFFFFF80  }
0x8a: {  	_ =	swait.ge [sflag:s31], $0x80  }
0x8b: {  	[sflag:s31] =	ssyncset.done $0x0  }
0x8c: {  	[sflag:s31] =	ssyncadd.s32 $0xFFFFFF80  }
0x8d: {  	_ =	swait.ge [sflag:s31], $0x80  }
0x8e: {  	[sflag:s31] =	ssyncset.done $0x0  }
0x8f: {  	[sflag:s31] =	ssyncadd.s32 $0xFFFFFF80  }
0x90: {  	_ =	sfence.sel $0x180000  }
0x91: {  	[bflag:$0x0] =	sbarrier.arrive $0xFFFF  }
0x92: {  	p0 =	sne.s32 s0, $0x0;
	_ =	strace $0x90000047  }
0x93: {  	s0 =	sadd.s32 @!p0 $0x100000, s1;
	[bflag:$0x2] =	sbarrier.arrive $0xFFFF  }
0x94: {  	[sflag:s0] =	ssyncadd.tile.s32 @!p0 $0x1;
	_ =	shalt  }
.Lfunc_end2:
_tile_overlayer_lowered:
.L_overlay_start_2:
0x95: {  	(tag) =	ssettag $0x2  }
0x96: {  	s0 =	rddreg [dreg:$0x0];
	s2 =	stileid.u32  }
0x97: {  	s1 =	rddreg [dreg:$0x1];
	p0 =	sne.s32 s2, $0x0  }
0x98: {  	s3 =	rddreg [dreg:$0x2];
	[bflag:$0x3] =	sbarrier.arrive $0xFFFF;
	s2 =	simm.s32 @!p0 $0x1C04  }
0x99: {  	[timem:s3], [sflag:s2] =	dma.local @!p0 [hbm:s0], s1  }
0x9a: {  	s0 =	simm.s32 @!p0 $0x4  }
0x9b: {  	_ =	swait.ge @!p0 [sflag:s0], s1  }
0x9c: {  	s1 =	ssub.s32 @!p0 $0x0, s1;
	[sflag:s0] =	ssyncset.done @!p0 $0x0  }
0x9d: {  	[sflag:s0] =	ssyncadd.s32 @!p0 s1  }
0x9e: {  	[bflag:$0x3] =	sbarrier.arrive $0xFFFF  }
0x9f: {  	_ =	shalt  }

</sc_bundles>
